<compile_context>
chip_gen: v7x
topology: tpu7x:2x2x1
jax: 0.10.2.dev20260603
libtpu: 0.0.44.dev20260713+nightly
codegen_flags: <defaults>
</compile_context>

<pallas_src>
import functools

import jax
import jax.numpy as jnp
from jax import lax
from jax.experimental import pallas as pl
from jax.experimental.pallas import tpu as pltpu
from jax.experimental.pallas import tpu_sc as plsc

_NC = 2
_NS = 16
_NW = _NC * _NS
_CHUNK = 128
_NBUF = 7
_PF = 6


@functools.lru_cache(maxsize=None)
def _build(n_chunks: int, d: int):
    _E = _NBUF - _PF
    assert n_chunks >= _NBUF + _E and (n_chunks - _NBUF - _E) % _NBUF == 0
    b_total = _NW * n_chunks * _CHUNK
    rows_per_w = n_chunks * _CHUNK
    mesh = plsc.VectorSubcoreMesh(
        core_axis_name="c", subcore_axis_name="s",
        num_cores=_NC, num_subcores=_NS,
    )

    @functools.partial(
        pl.kernel,
        out_type=jax.ShapeDtypeStruct((b_total, d), jnp.float32),
        mesh=mesh,
        compiler_params=pltpu.CompilerParams(use_tc_tiling_on_sc=True),
        scratch_types=[
            pltpu.VMEM((rows_per_w,), jnp.int32),
            pltpu.VMEM((_NBUF, _CHUNK, d), jnp.float32),
            [pltpu.SemaphoreType.DMA] * _NBUF,
            [pltpu.SemaphoreType.DMA] * _NBUF,
        ],
    )
    def embed(table_hbm, idx_hbm, out_hbm, idx_v, rows_v, gsems, wsems):
        wid = lax.axis_index("s") * _NC + lax.axis_index("c")
        base = wid * rows_per_w
        pltpu.sync_copy(idx_hbm.at[pl.ds(base, rows_per_w)], idx_v)

        def issue_g(jj, b):
            pltpu.async_copy(
                table_hbm.at[idx_v.at[pl.ds(jj * _CHUNK, _CHUNK)]],
                rows_v.at[b], gsems[b],
            )

        def wait_g(b):
            pltpu.make_async_copy(
                table_hbm.at[idx_v.at[pl.ds(0, _CHUNK)]], rows_v.at[b],
                gsems[b],
            ).wait()

        def issue_w(jj, b):
            pltpu.async_copy(
                rows_v.at[b], out_hbm.at[pl.ds(base + jj * _CHUNK, _CHUNK)],
                wsems[b],
            )

        def wait_w(b):
            pltpu.make_async_copy(
                rows_v.at[b], out_hbm.at[pl.ds(base, _CHUNK)], wsems[b]
            ).wait()

        for c in range(_PF):
            issue_g(c, c)
        for c in range(_E):
            issue_g(c + _PF, (c + _PF) % _NBUF)
            wait_g(c)
            issue_w(c, c)

        @pl.loop(_E, n_chunks - _NBUF, step=_NBUF)
        def _(j):
            for b in range(_NBUF):
                jj = j + b
                b_refill = (b + _E + _PF) % _NBUF
                b_cur = (b + _E) % _NBUF
                wait_w(b_refill)
                issue_g(jj + _PF, b_refill)
                wait_g(b_cur)
                issue_w(jj, b_cur)

        for jj in range(n_chunks - _NBUF, n_chunks):
            wait_w((jj + _PF) % _NBUF)
            if jj + _PF < n_chunks:
                issue_g(jj + _PF, (jj + _PF) % _NBUF)
            wait_g(jj % _NBUF)
            issue_w(jj, jj % _NBUF)
        for jj in range(n_chunks - _E, n_chunks):
            wait_w(jj % _NBUF)

    return embed


def kernel(x, table):
    bt, h = x.shape
    v, d = table.shape
    b_total = bt * h
    n_chunks = b_total // (_NW * _CHUNK)
    idx = x.T.reshape(-1).astype(jnp.int32)
    out = _build(n_chunks, d)(table, idx)
    return out.reshape(h, bt, d).transpose(1, 0, 2)

# --- scband reference (transcript-rebuilt; emitter-appended) ---
"""Pipeline reference for scband-forcast-base-model-31868657336407 (READ-ONLY COPY).

The authoritative reference and input builder live on the scoring server;
editing this copy changes nothing except your own understanding.
"""

import jax, jax.numpy as jnp
import numpy as np

VOCAB = 100000
EMBED_DIM = 128
BATCH = 4096
HIST = 50
PADDING_IDX = 1

def setup_inputs(seed: int = 0) -> dict:
    key = jax.random.key(seed)
    k1, k2 = jax.random.split(key)
    x = jax.random.randint(k1, (BATCH, HIST), 0, VOCAB)
    table = jax.random.normal(k2, (VOCAB, EMBED_DIM), dtype=jnp.float32)
    # torch nn.Embedding with padding_idx initializes the padding row to zeros
    table = table.at[PADDING_IDX].set(0.0)
    return {"x": x, "table": table}

def reference(x, table):
    # Embedder.forward with use_tfidf=False: self.embedding_layer(x.long())
    return jnp.take(table, x, axis=0)

if __name__ == "__main__":
    import jax
    _d = setup_inputs()
    print(jax.jit(kernel)(*tuple(_d.values())))

</pallas_src>

<mosaic_0001>
#map = affine_map<(d0, d1) -> (0, 0)>
#map1 = affine_map<(d0, d1) -> (0)>
module attributes {stable_mosaic.version = 14 : i64} {
  func.func @embed(%arg0: i32, %arg1: i32, %arg2: memref<100000x128xf32, #tpu.memory_space<hbm>>, %arg3: memref<204800xi32, #tpu.memory_space<hbm>>, %arg4: memref<204800x128xf32, #tpu.memory_space<hbm>>, %arg5: memref<6400xi32, #tpu.memory_space<vmem>>, %arg6: memref<7x128x128xf32, #tpu.memory_space<vmem>>, %arg7: memref<!tpu.dma_semaphore, #tpu.memory_space<semaphore_mem>>, %arg8: memref<!tpu.dma_semaphore, #tpu.memory_space<semaphore_mem>>, %arg9: memref<!tpu.dma_semaphore, #tpu.memory_space<semaphore_mem>>, %arg10: memref<!tpu.dma_semaphore, #tpu.memory_space<semaphore_mem>>, %arg11: memref<!tpu.dma_semaphore, #tpu.memory_space<semaphore_mem>>, %arg12: memref<!tpu.dma_semaphore, #tpu.memory_space<semaphore_mem>>, %arg13: memref<!tpu.dma_semaphore, #tpu.memory_space<semaphore_mem>>, %arg14: memref<!tpu.dma_semaphore, #tpu.memory_space<semaphore_mem>>, %arg15: memref<!tpu.dma_semaphore, #tpu.memory_space<semaphore_mem>>, %arg16: memref<!tpu.dma_semaphore, #tpu.memory_space<semaphore_mem>>, %arg17: memref<!tpu.dma_semaphore, #tpu.memory_space<semaphore_mem>>, %arg18: memref<!tpu.dma_semaphore, #tpu.memory_space<semaphore_mem>>, %arg19: memref<!tpu.dma_semaphore, #tpu.memory_space<semaphore_mem>>, %arg20: memref<!tpu.dma_semaphore, #tpu.memory_space<semaphore_mem>>) attributes {dimension_semantics = [#tpu.dimension_semantics<core_parallel>, #tpu.dimension_semantics<subcore_parallel>], iteration_bounds = array<i64: 2, 16>, scalar_prefetch = 0 : i64, scratch_operands = 16 : i64, tpu.core_type = #tpu.core_type<sc_vector_subcore>, window_params = [{transform_indices = #map}, {transform_indices = #map1}, {transform_indices = #map}]} {
    %mul3A = arith.constant 2 : i32
    %mul3A_0 = arith.muli %arg1, %mul3A : i32
    %add3A = arith.addi %mul3A_0, %arg0 : i32
    %mul3A_1 = arith.constant 6400 : i32
    %mul3A_2 = arith.muli %add3A, %mul3A_1 : i32
    "tpu.region"() ({
      %run_scoped3A = tpu.sem_alloc : memref<!tpu.dma_semaphore, #tpu.memory_space<semaphore_mem>>
      %dma_start3A_389 = tpu.memref_slice %arg3[%mul3A_2] : memref<204800xi32, #tpu.memory_space<hbm>> -> memref<6400xi32, #tpu.memory_space<hbm>>
      %dma_start3A_390 = tpu.memref_slice %arg3[%mul3A_2] : memref<204800xi32, #tpu.memory_space<hbm>> -> memref<6400xi32, #tpu.memory_space<hbm>>
      tpu.enqueue_dma source(%dma_start3A_390 : memref<6400xi32, #tpu.memory_space<hbm>>) target(%arg5 : memref<6400xi32, #tpu.memory_space<vmem>>) target_semaphore(%run_scoped3A : memref<!tpu.dma_semaphore, #tpu.memory_space<semaphore_mem>>)
      %dma_wait3A_391 = tpu.memref_slice %arg3[%mul3A_2] : memref<204800xi32, #tpu.memory_space<hbm>> -> memref<6400xi32, #tpu.memory_space<hbm>>
      %dma_wait3A_392 = tpu.memref_slice %arg3[%mul3A_2] : memref<204800xi32, #tpu.memory_space<hbm>> -> memref<6400xi32, #tpu.memory_space<hbm>>
      tpu.wait_dma2 semaphore(%run_scoped3A : memref<!tpu.dma_semaphore, #tpu.memory_space<semaphore_mem>>) src(%dma_wait3A_392 : memref<6400xi32, #tpu.memory_space<hbm>>) dst(%arg5 : memref<6400xi32, #tpu.memory_space<vmem>>)
      tpu.yield
    }) : () -> ()
    %dma_start3A = arith.constant 0 : i32
    %dma_start3A_3 = arith.constant 0 : i32
    %dma_start3A_4 = arith.constant 0 : i32
    %dma_start3A_5 = tpu.memref_slice %arg6[%dma_start3A, %dma_start3A_3, %dma_start3A_4] : memref<7x128x128xf32, #tpu.memory_space<vmem>> -> memref<1x128x128xf32, #tpu.memory_space<vmem>>
    %dma_start3A_6 = tpu.memref_squeeze %dma_start3A_5 : memref<1x128x128xf32, #tpu.memory_space<vmem>> -> memref<128x128xf32, #tpu.memory_space<vmem>>
    %dma_start3A_7 = arith.constant 0 : i32
    %dma_start3A_8 = tpu.memref_slice %arg5[%dma_start3A_7] : memref<6400xi32, #tpu.memory_space<vmem>> -> memref<128xi32, #tpu.memory_space<vmem>>
    %dma_start3A_9 = arith.constant 0 : i32
    %dma_start3A_10 = arith.constant 0 : i32
    %dma_start3A_11 = tpu.memref_slice %arg2[%dma_start3A_9, %dma_start3A_10] : memref<100000x128xf32, #tpu.memory_space<hbm>> -> memref<100000x128xf32, #tpu.memory_space<hbm>>
    tpu.enqueue_indirect_dma source(%dma_start3A_11 : memref<100000x128xf32, #tpu.memory_space<hbm>>) target(%dma_start3A_6 : memref<128x128xf32, #tpu.memory_space<vmem>>) offsets(%dma_start3A_8 : memref<128xi32, #tpu.memory_space<vmem>>) semaphore(%arg7 : memref<!tpu.dma_semaphore, #tpu.memory_space<semaphore_mem>>)
    %dma_start3A_12 = arith.constant 1 : i32
    %dma_start3A_13 = arith.constant 0 : i32
    %dma_start3A_14 = arith.constant 0 : i32
    %dma_start3A_15 = tpu.memref_slice %arg6[%dma_start3A_12, %dma_start3A_13, %dma_start3A_14] : memref<7x128x128xf32, #tpu.memory_space<vmem>> -> memref<1x128x128xf32, #tpu.memory_space<vmem>>
    %dma_start3A_16 = tpu.memref_squeeze %dma_start3A_15 : memref<1x128x128xf32, #tpu.memory_space<vmem>> -> memref<128x128xf32, #tpu.memory_space<vmem>>
    %dma_start3A_17 = arith.constant 128 : i32
    %dma_start3A_18 = tpu.memref_slice %arg5[%dma_start3A_17] : memref<6400xi32, #tpu.memory_space<vmem>> -> memref<128xi32, #tpu.memory_space<vmem>>
    %dma_start3A_19 = arith.constant 0 : i32
    %dma_start3A_20 = arith.constant 0 : i32
    %dma_start3A_21 = tpu.memref_slice %arg2[%dma_start3A_19, %dma_start3A_20] : memref<100000x128xf32, #tpu.memory_space<hbm>> -> memref<100000x128xf32, #tpu.memory_space<hbm>>
    tpu.enqueue_indirect_dma source(%dma_start3A_21 : memref<100000x128xf32, #tpu.memory_space<hbm>>) target(%dma_start3A_16 : memref<128x128xf32, #tpu.memory_space<vmem>>) offsets(%dma_start3A_18 : memref<128xi32, #tpu.memory_space<vmem>>) semaphore(%arg8 : memref<!tpu.dma_semaphore, #tpu.memory_space<semaphore_mem>>)
    %dma_start3A_22 = arith.constant 2 : i32
    %dma_start3A_23 = arith.constant 0 : i32
    %dma_start3A_24 = arith.constant 0 : i32
    %dma_start3A_25 = tpu.memref_slice %arg6[%dma_start3A_22, %dma_start3A_23, %dma_start3A_24] : memref<7x128x128xf32, #tpu.memory_space<vmem>> -> memref<1x128x128xf32, #tpu.memory_space<vmem>>
    %dma_start3A_26 = tpu.memref_squeeze %dma_start3A_25 : memref<1x128x128xf32, #tpu.memory_space<vmem>> -> memref<128x128xf32, #tpu.memory_space<vmem>>
    %dma_start3A_27 = arith.constant 256 : i32
    %dma_start3A_28 = tpu.memref_slice %arg5[%dma_start3A_27] : memref<6400xi32, #tpu.memory_space<vmem>> -> memref<128xi32, #tpu.memory_space<vmem>>
    %dma_start3A_29 = arith.constant 0 : i32
    %dma_start3A_30 = arith.constant 0 : i32
    %dma_start3A_31 = tpu.memref_slice %arg2[%dma_start3A_29, %dma_start3A_30] : memref<100000x128xf32, #tpu.memory_space<hbm>> -> memref<100000x128xf32, #tpu.memory_space<hbm>>
    tpu.enqueue_indirect_dma source(%dma_start3A_31 : memref<100000x128xf32, #tpu.memory_space<hbm>>) target(%dma_start3A_26 : memref<128x128xf32, #tpu.memory_space<vmem>>) offsets(%dma_start3A_28 : memref<128xi32, #tpu.memory_space<vmem>>) semaphore(%arg9 : memref<!tpu.dma_semaphore, #tpu.memory_space<semaphore_mem>>)
    %dma_start3A_32 = arith.constant 3 : i32
    %dma_start3A_33 = arith.constant 0 : i32
    %dma_start3A_34 = arith.constant 0 : i32
    %dma_start3A_35 = tpu.memref_slice %arg6[%dma_start3A_32, %dma_start3A_33, %dma_start3A_34] : memref<7x128x128xf32, #tpu.memory_space<vmem>> -> memref<1x128x128xf32, #tpu.memory_space<vmem>>
    %dma_start3A_36 = tpu.memref_squeeze %dma_start3A_35 : memref<1x128x128xf32, #tpu.memory_space<vmem>> -> memref<128x128xf32, #tpu.memory_space<vmem>>
    %dma_start3A_37 = arith.constant 384 : i32
    %dma_start3A_38 = tpu.memref_slice %arg5[%dma_start3A_37] : memref<6400xi32, #tpu.memory_space<vmem>> -> memref<128xi32, #tpu.memory_space<vmem>>
    %dma_start3A_39 = arith.constant 0 : i32
    %dma_start3A_40 = arith.constant 0 : i32
    %dma_start3A_41 = tpu.memref_slice %arg2[%dma_start3A_39, %dma_start3A_40] : memref<100000x128xf32, #tpu.memory_space<hbm>> -> memref<100000x128xf32, #tpu.memory_space<hbm>>
    tpu.enqueue_indirect_dma source(%dma_start3A_41 : memref<100000x128xf32, #tpu.memory_space<hbm>>) target(%dma_start3A_36 : memref<128x128xf32, #tpu.memory_space<vmem>>) offsets(%dma_start3A_38 : memref<128xi32, #tpu.memory_space<vmem>>) semaphore(%arg10 : memref<!tpu.dma_semaphore, #tpu.memory_space<semaphore_mem>>)
    %dma_start3A_42 = arith.constant 4 : i32
    %dma_start3A_43 = arith.constant 0 : i32
    %dma_start3A_44 = arith.constant 0 : i32
    %dma_start3A_45 = tpu.memref_slice %arg6[%dma_start3A_42, %dma_start3A_43, %dma_start3A_44] : memref<7x128x128xf32, #tpu.memory_space<vmem>> -> memref<1x128x128xf32, #tpu.memory_space<vmem>>
    %dma_start3A_46 = tpu.memref_squeeze %dma_start3A_45 : memref<1x128x128xf32, #tpu.memory_space<vmem>> -> memref<128x128xf32, #tpu.memory_space<vmem>>
    %dma_start3A_47 = arith.constant 512 : i32
    %dma_start3A_48 = tpu.memref_slice %arg5[%dma_start3A_47] : memref<6400xi32, #tpu.memory_space<vmem>> -> memref<128xi32, #tpu.memory_space<vmem>>
    %dma_start3A_49 = arith.constant 0 : i32
    %dma_start3A_50 = arith.constant 0 : i32
    %dma_start3A_51 = tpu.memref_slice %arg2[%dma_start3A_49, %dma_start3A_50] : memref<100000x128xf32, #tpu.memory_space<hbm>> -> memref<100000x128xf32, #tpu.memory_space<hbm>>
    tpu.enqueue_indirect_dma source(%dma_start3A_51 : memref<100000x128xf32, #tpu.memory_space<hbm>>) target(%dma_start3A_46 : memref<128x128xf32, #tpu.memory_space<vmem>>) offsets(%dma_start3A_48 : memref<128xi32, #tpu.memory_space<vmem>>) semaphore(%arg11 : memref<!tpu.dma_semaphore, #tpu.memory_space<semaphore_mem>>)
    %dma_start3A_52 = arith.constant 5 : i32
    %dma_start3A_53 = arith.constant 0 : i32
    %dma_start3A_54 = arith.constant 0 : i32
    %dma_start3A_55 = tpu.memref_slice %arg6[%dma_start3A_52, %dma_start3A_53, %dma_start3A_54] : memref<7x128x128xf32, #tpu.memory_space<vmem>> -> memref<1x128x128xf32, #tpu.memory_space<vmem>>
    %dma_start3A_56 = tpu.memref_squeeze %dma_start3A_55 : memref<1x128x128xf32, #tpu.memory_space<vmem>> -> memref<128x128xf32, #tpu.memory_space<vmem>>
    %dma_start3A_57 = arith.constant 640 : i32
    %dma_start3A_58 = tpu.memref_slice %arg5[%dma_start3A_57] : memref<6400xi32, #tpu.memory_space<vmem>> -> memref<128xi32, #tpu.memory_space<vmem>>
    %dma_start3A_59 = arith.constant 0 : i32
    %dma_start3A_60 = arith.constant 0 : i32
    %dma_start3A_61 = tpu.memref_slice %arg2[%dma_start3A_59, %dma_start3A_60] : memref<100000x128xf32, #tpu.memory_space<hbm>> -> memref<100000x128xf32, #tpu.memory_space<hbm>>
    tpu.enqueue_indirect_dma source(%dma_start3A_61 : memref<100000x128xf32, #tpu.memory_space<hbm>>) target(%dma_start3A_56 : memref<128x128xf32, #tpu.memory_space<vmem>>) offsets(%dma_start3A_58 : memref<128xi32, #tpu.memory_space<vmem>>) semaphore(%arg12 : memref<!tpu.dma_semaphore, #tpu.memory_space<semaphore_mem>>)
    %dma_start3A_62 = arith.constant 6 : i32
    %dma_start3A_63 = arith.constant 0 : i32
    %dma_start3A_64 = arith.constant 0 : i32
    %dma_start3A_65 = tpu.memref_slice %arg6[%dma_start3A_62, %dma_start3A_63, %dma_start3A_64] : memref<7x128x128xf32, #tpu.memory_space<vmem>> -> memref<1x128x128xf32, #tpu.memory_space<vmem>>
    %dma_start3A_66 = tpu.memref_squeeze %dma_start3A_65 : memref<1x128x128xf32, #tpu.memory_space<vmem>> -> memref<128x128xf32, #tpu.memory_space<vmem>>
    %dma_start3A_67 = arith.constant 768 : i32
    %dma_start3A_68 = tpu.memref_slice %arg5[%dma_start3A_67] : memref<6400xi32, #tpu.memory_space<vmem>> -> memref<128xi32, #tpu.memory_space<vmem>>
    %dma_start3A_69 = arith.constant 0 : i32
    %dma_start3A_70 = arith.constant 0 : i32
    %dma_start3A_71 = tpu.memref_slice %arg2[%dma_start3A_69, %dma_start3A_70] : memref<100000x128xf32, #tpu.memory_space<hbm>> -> memref<100000x128xf32, #tpu.memory_space<hbm>>
    tpu.enqueue_indirect_dma source(%dma_start3A_71 : memref<100000x128xf32, #tpu.memory_space<hbm>>) target(%dma_start3A_66 : memref<128x128xf32, #tpu.memory_space<vmem>>) offsets(%dma_start3A_68 : memref<128xi32, #tpu.memory_space<vmem>>) semaphore(%arg13 : memref<!tpu.dma_semaphore, #tpu.memory_space<semaphore_mem>>)
    %dma_wait3A = arith.constant 0 : i32
    %dma_wait3A_72 = arith.constant 0 : i32
    %dma_wait3A_73 = arith.constant 0 : i32
    %dma_wait3A_74 = tpu.memref_slice %arg6[%dma_wait3A, %dma_wait3A_72, %dma_wait3A_73] : memref<7x128x128xf32, #tpu.memory_space<vmem>> -> memref<1x128x128xf32, #tpu.memory_space<vmem>>
    %dma_wait3A_75 = tpu.memref_squeeze %dma_wait3A_74 : memref<1x128x128xf32, #tpu.memory_space<vmem>> -> memref<128x128xf32, #tpu.memory_space<vmem>>
    %dma_wait3A_76 = arith.constant 0 : i32
    %dma_wait3A_77 = tpu.memref_slice %arg5[%dma_wait3A_76] : memref<6400xi32, #tpu.memory_space<vmem>> -> memref<128xi32, #tpu.memory_space<vmem>>
    %dma_wait3A_78 = arith.constant 0 : i32
    %dma_wait3A_79 = arith.constant 0 : i32
    %dma_wait3A_80 = tpu.memref_slice %arg2[%dma_wait3A_78, %dma_wait3A_79] : memref<100000x128xf32, #tpu.memory_space<hbm>> -> memref<100000x128xf32, #tpu.memory_space<hbm>>
    tpu.wait_indirect_dma semaphore(%arg7 : memref<!tpu.dma_semaphore, #tpu.memory_space<semaphore_mem>>) src(%dma_wait3A_80 : memref<100000x128xf32, #tpu.memory_space<hbm>>) dst(%dma_wait3A_75 : memref<128x128xf32, #tpu.memory_space<vmem>>)
    %add3A_81 = arith.constant 0 : i32
    %add3A_82 = arith.addi %mul3A_2, %add3A_81 : i32
    %dma_start3A_83 = arith.constant 0 : i32
    %dma_start3A_84 = arith.constant 0 : i32
    %dma_start3A_85 = arith.constant 0 : i32
    %dma_start3A_86 = tpu.memref_slice %arg6[%dma_start3A_83, %dma_start3A_84, %dma_start3A_85] : memref<7x128x128xf32, #tpu.memory_space<vmem>> -> memref<1x128x128xf32, #tpu.memory_space<vmem>>
    %dma_start3A_87 = tpu.memref_squeeze %dma_start3A_86 : memref<1x128x128xf32, #tpu.memory_space<vmem>> -> memref<128x128xf32, #tpu.memory_space<vmem>>
    %dma_start3A_88 = arith.constant 0 : i32
    %dma_start3A_89 = tpu.memref_slice %arg4[%add3A_82, %dma_start3A_88] : memref<204800x128xf32, #tpu.memory_space<hbm>> -> memref<128x128xf32, #tpu.memory_space<hbm>>
    %dma_start3A_90 = arith.constant 0 : i32
    %dma_start3A_91 = tpu.memref_slice %arg4[%add3A_82, %dma_start3A_90] : memref<204800x128xf32, #tpu.memory_space<hbm>> -> memref<128x128xf32, #tpu.memory_space<hbm>>
    %dma_start3A_92 = arith.constant 0 : i32
    %dma_start3A_93 = arith.constant 0 : i32
    %dma_start3A_94 = tpu.memref_slice %arg6[%dma_start3A_83, %dma_start3A_92, %dma_start3A_93] : memref<7x128x128xf32, #tpu.memory_space<vmem>> -> memref<1x128x128xf32, #tpu.memory_space<vmem>>
    %dma_start3A_95 = tpu.memref_squeeze %dma_start3A_94 : memref<1x128x128xf32, #tpu.memory_space<vmem>> -> memref<128x128xf32, #tpu.memory_space<vmem>>
    tpu.enqueue_dma source(%dma_start3A_95 : memref<128x128xf32, #tpu.memory_space<vmem>>) target(%dma_start3A_91 : memref<128x128xf32, #tpu.memory_space<hbm>>) target_semaphore(%arg14 : memref<!tpu.dma_semaphore, #tpu.memory_space<semaphore_mem>>)
    %scan3A = arith.constant 0 : i32
    %scan3A_96 = arith.constant 6 : i32
    %scan3A_97 = arith.addi %scan3A, %scan3A_96 : i32
    %scan3A_98 = arith.constant 1 : i32
    scf.for %scan3A_389 = %scan3A to %scan3A_97 step %scan3A_98  : i32 {
      %mul3A_390 = arith.constant 7 : i32
      %mul3A_391 = arith.muli %scan3A_389, %mul3A_390 : i32
      %add3A_392 = arith.constant 1 : i32
      %add3A_393 = arith.addi %add3A_392, %mul3A_391 : i32
      %add3A_394 = arith.constant 0 : i32
      %add3A_395 = arith.addi %add3A_393, %add3A_394 : i32
      %dma_wait3A_396 = arith.constant 0 : i32
      %dma_wait3A_397 = arith.constant 0 : i32
      %dma_wait3A_398 = arith.constant 0 : i32
      %dma_wait3A_399 = tpu.memref_slice %arg6[%dma_wait3A_396, %dma_wait3A_397, %dma_wait3A_398] : memref<7x128x128xf32, #tpu.memory_space<vmem>> -> memref<1x128x128xf32, #tpu.memory_space<vmem>>
      %dma_wait3A_400 = tpu.memref_squeeze %dma_wait3A_399 : memref<1x128x128xf32, #tpu.memory_space<vmem>> -> memref<128x128xf32, #tpu.memory_space<vmem>>
      %dma_wait3A_401 = arith.constant 0 : i32
      %dma_wait3A_402 = tpu.memref_slice %arg4[%mul3A_2, %dma_wait3A_401] : memref<204800x128xf32, #tpu.memory_space<hbm>> -> memref<128x128xf32, #tpu.memory_space<hbm>>
      %dma_wait3A_403 = arith.constant 0 : i32
      %dma_wait3A_404 = tpu.memref_slice %arg4[%mul3A_2, %dma_wait3A_403] : memref<204800x128xf32, #tpu.memory_space<hbm>> -> memref<128x128xf32, #tpu.memory_space<hbm>>
      %dma_wait3A_405 = arith.constant 0 : i32
      %dma_wait3A_406 = arith.constant 0 : i32
      %dma_wait3A_407 = tpu.memref_slice %arg6[%dma_wait3A_396, %dma_wait3A_405, %dma_wait3A_406] : memref<7x128x128xf32, #tpu.memory_space<vmem>> -> memref<1x128x128xf32, #tpu.memory_space<vmem>>
      %dma_wait3A_408 = tpu.memref_squeeze %dma_wait3A_407 : memref<1x128x128xf32, #tpu.memory_space<vmem>> -> memref<128x128xf32, #tpu.memory_space<vmem>>
      tpu.wait_dma2 semaphore(%arg14 : memref<!tpu.dma_semaphore, #tpu.memory_space<semaphore_mem>>) src(%dma_wait3A_408 : memref<128x128xf32, #tpu.memory_space<vmem>>) dst(%dma_wait3A_404 : memref<128x128xf32, #tpu.memory_space<hbm>>)
      %add3A_409 = arith.constant 6 : i32
      %add3A_410 = arith.addi %add3A_395, %add3A_409 : i32
      %mul3A_411 = arith.constant 128 : i32
      %mul3A_412 = arith.muli %add3A_410, %mul3A_411 : i32
      %dma_start3A_413 = arith.constant 0 : i32
      %dma_start3A_414 = arith.constant 0 : i32
      %dma_start3A_415 = arith.constant 0 : i32
      %dma_start3A_416 = tpu.memref_slice %arg6[%dma_start3A_413, %dma_start3A_414, %dma_start3A_415] : memref<7x128x128xf32, #tpu.memory_space<vmem>> -> memref<1x128x128xf32, #tpu.memory_space<vmem>>
      %dma_start3A_417 = tpu.memref_squeeze %dma_start3A_416 : memref<1x128x128xf32, #tpu.memory_space<vmem>> -> memref<128x128xf32, #tpu.memory_space<vmem>>
      %dma_start3A_418 = tpu.memref_slice %arg5[%mul3A_412] : memref<6400xi32, #tpu.memory_space<vmem>> -> memref<128xi32, #tpu.memory_space<vmem>>
      %dma_start3A_419 = arith.constant 0 : i32
      %dma_start3A_420 = arith.constant 0 : i32
      %dma_start3A_421 = tpu.memref_slice %arg2[%dma_start3A_419, %dma_start3A_420] : memref<100000x128xf32, #tpu.memory_space<hbm>> -> memref<100000x128xf32, #tpu.memory_space<hbm>>
      tpu.enqueue_indirect_dma source(%dma_start3A_421 : memref<100000x128xf32, #tpu.memory_space<hbm>>) target(%dma_start3A_417 : memref<128x128xf32, #tpu.memory_space<vmem>>) offsets(%dma_start3A_418 : memref<128xi32, #tpu.memory_space<vmem>>) semaphore(%arg7 : memref<!tpu.dma_semaphore, #tpu.memory_space<semaphore_mem>>)
      %dma_wait3A_422 = arith.constant 1 : i32
      %dma_wait3A_423 = arith.constant 0 : i32
      %dma_wait3A_424 = arith.constant 0 : i32
      %dma_wait3A_425 = tpu.memref_slice %arg6[%dma_wait3A_422, %dma_wait3A_423, %dma_wait3A_424] : memref<7x128x128xf32, #tpu.memory_space<vmem>> -> memref<1x128x128xf32, #tpu.memory_space<vmem>>
      %dma_wait3A_426 = tpu.memref_squeeze %dma_wait3A_425 : memref<1x128x128xf32, #tpu.memory_space<vmem>> -> memref<128x128xf32, #tpu.memory_space<vmem>>
      %dma_wait3A_427 = arith.constant 0 : i32
      %dma_wait3A_428 = tpu.memref_slice %arg5[%dma_wait3A_427] : memref<6400xi32, #tpu.memory_space<vmem>> -> memref<128xi32, #tpu.memory_space<vmem>>
      %dma_wait3A_429 = arith.constant 0 : i32
      %dma_wait3A_430 = arith.constant 0 : i32
      %dma_wait3A_431 = tpu.memref_slice %arg2[%dma_wait3A_429, %dma_wait3A_430] : memref<100000x128xf32, #tpu.memory_space<hbm>> -> memref<100000x128xf32, #tpu.memory_space<hbm>>
      tpu.wait_indirect_dma semaphore(%arg8 : memref<!tpu.dma_semaphore, #tpu.memory_space<semaphore_mem>>) src(%dma_wait3A_431 : memref<100000x128xf32, #tpu.memory_space<hbm>>) dst(%dma_wait3A_426 : memref<128x128xf32, #tpu.memory_space<vmem>>)
      %mul3A_432 = arith.constant 128 : i32
      %mul3A_433 = arith.muli %add3A_395, %mul3A_432 : i32
      %add3A_434 = arith.addi %mul3A_2, %mul3A_433 : i32
      %dma_start3A_435 = arith.constant 1 : i32
      %dma_start3A_436 = arith.constant 0 : i32
      %dma_start3A_437 = arith.constant 0 : i32
      %dma_start3A_438 = tpu.memref_slice %arg6[%dma_start3A_435, %dma_start3A_436, %dma_start3A_437] : memref<7x128x128xf32, #tpu.memory_space<vmem>> -> memref<1x128x128xf32, #tpu.memory_space<vmem>>
      %dma_start3A_439 = tpu.memref_squeeze %dma_start3A_438 : memref<1x128x128xf32, #tpu.memory_space<vmem>> -> memref<128x128xf32, #tpu.memory_space<vmem>>
      %dma_start3A_440 = arith.constant 0 : i32
      %dma_start3A_441 = tpu.memref_slice %arg4[%add3A_434, %dma_start3A_440] : memref<204800x128xf32, #tpu.memory_space<hbm>> -> memref<128x128xf32, #tpu.memory_space<hbm>>
      %dma_start3A_442 = arith.constant 0 : i32
      %dma_start3A_443 = tpu.memref_slice %arg4[%add3A_434, %dma_start3A_442] : memref<204800x128xf32, #tpu.memory_space<hbm>> -> memref<128x128xf32, #tpu.memory_space<hbm>>
      %dma_start3A_444 = arith.constant 0 : i32
      %dma_start3A_445 = arith.constant 0 : i32
      %dma_start3A_446 = tpu.memref_slice %arg6[%dma_start3A_435, %dma_start3A_444, %dma_start3A_445] : memref<7x128x128xf32, #tpu.memory_space<vmem>> -> memref<1x128x128xf32, #tpu.memory_space<vmem>>
      %dma_start3A_447 = tpu.memref_squeeze %dma_start3A_446 : memref<1x128x128xf32, #tpu.memory_space<vmem>> -> memref<128x128xf32, #tpu.memory_space<vmem>>
      tpu.enqueue_dma source(%dma_start3A_447 : memref<128x128xf32, #tpu.memory_space<vmem>>) target(%dma_start3A_443 : memref<128x128xf32, #tpu.memory_space<hbm>>) target_semaphore(%arg15 : memref<!tpu.dma_semaphore, #tpu.memory_space<semaphore_mem>>)
      %add3A_448 = arith.constant 1 : i32
      %add3A_449 = arith.addi %add3A_393, %add3A_448 : i32
      %dma_wait3A_450 = arith.constant 1 : i32
      %dma_wait3A_451 = arith.constant 0 : i32
      %dma_wait3A_452 = arith.constant 0 : i32
      %dma_wait3A_453 = tpu.memref_slice %arg6[%dma_wait3A_450, %dma_wait3A_451, %dma_wait3A_452] : memref<7x128x128xf32, #tpu.memory_space<vmem>> -> memref<1x128x128xf32, #tpu.memory_space<vmem>>
      %dma_wait3A_454 = tpu.memref_squeeze %dma_wait3A_453 : memref<1x128x128xf32, #tpu.memory_space<vmem>> -> memref<128x128xf32, #tpu.memory_space<vmem>>
      %dma_wait3A_455 = arith.constant 0 : i32
      %dma_wait3A_456 = tpu.memref_slice %arg4[%mul3A_2, %dma_wait3A_455] : memref<204800x128xf32, #tpu.memory_space<hbm>> -> memref<128x128xf32, #tpu.memory_space<hbm>>
      %dma_wait3A_457 = arith.constant 0 : i32
      %dma_wait3A_458 = tpu.memref_slice %arg4[%mul3A_2, %dma_wait3A_457] : memref<204800x128xf32, #tpu.memory_space<hbm>> -> memref<128x128xf32, #tpu.memory_space<hbm>>
      %dma_wait3A_459 = arith.constant 0 : i32
      %dma_wait3A_460 = arith.constant 0 : i32
      %dma_wait3A_461 = tpu.memref_slice %arg6[%dma_wait3A_450, %dma_wait3A_459, %dma_wait3A_460] : memref<7x128x128xf32, #tpu.memory_space<vmem>> -> memref<1x128x128xf32, #tpu.memory_space<vmem>>
      %dma_wait3A_462 = tpu.memref_squeeze %dma_wait3A_461 : memref<1x128x128xf32, #tpu.memory_space<vmem>> -> memref<128x128xf32, #tpu.memory_space<vmem>>
      tpu.wait_dma2 semaphore(%arg15 : memref<!tpu.dma_semaphore, #tpu.memory_space<semaphore_mem>>) src(%dma_wait3A_462 : memref<128x128xf32, #tpu.memory_space<vmem>>) dst(%dma_wait3A_458 : memref<128x128xf32, #tpu.memory_space<hbm>>)
      %add3A_463 = arith.constant 6 : i32
      %add3A_464 = arith.addi %add3A_449, %add3A_463 : i32
      %mul3A_465 = arith.constant 128 : i32
      %mul3A_466 = arith.muli %add3A_464, %mul3A_465 : i32
      %dma_start3A_467 = arith.constant 1 : i32
      %dma_start3A_468 = arith.constant 0 : i32
      %dma_start3A_469 = arith.constant 0 : i32
      %dma_start3A_470 = tpu.memref_slice %arg6[%dma_start3A_467, %dma_start3A_468, %dma_start3A_469] : memref<7x128x128xf32, #tpu.memory_space<vmem>> -> memref<1x128x128xf32, #tpu.memory_space<vmem>>
      %dma_start3A_471 = tpu.memref_squeeze %dma_start3A_470 : memref<1x128x128xf32, #tpu.memory_space<vmem>> -> memref<128x128xf32, #tpu.memory_space<vmem>>
      %dma_start3A_472 = tpu.memref_slice %arg5[%mul3A_466] : memref<6400xi32, #tpu.memory_space<vmem>> -> memref<128xi32, #tpu.memory_space<vmem>>
      %dma_start3A_473 = arith.constant 0 : i32
      %dma_start3A_474 = arith.constant 0 : i32
      %dma_start3A_475 = tpu.memref_slice %arg2[%dma_start3A_473, %dma_start3A_474] : memref<100000x128xf32, #tpu.memory_space<hbm>> -> memref<100000x128xf32, #tpu.memory_space<hbm>>
      tpu.enqueue_indirect_dma source(%dma_start3A_475 : memref<100000x128xf32, #tpu.memory_space<hbm>>) target(%dma_start3A_471 : memref<128x128xf32, #tpu.memory_space<vmem>>) offsets(%dma_start3A_472 : memref<128xi32, #tpu.memory_space<vmem>>) semaphore(%arg8 : memref<!tpu.dma_semaphore, #tpu.memory_space<semaphore_mem>>)
      %dma_wait3A_476 = arith.constant 2 : i32
      %dma_wait3A_477 = arith.constant 0 : i32
      %dma_wait3A_478 = arith.constant 0 : i32
      %dma_wait3A_479 = tpu.memref_slice %arg6[%dma_wait3A_476, %dma_wait3A_477, %dma_wait3A_478] : memref<7x128x128xf32, #tpu.memory_space<vmem>> -> memref<1x128x128xf32, #tpu.memory_space<vmem>>
      %dma_wait3A_480 = tpu.memref_squeeze %dma_wait3A_479 : memref<1x128x128xf32, #tpu.memory_space<vmem>> -> memref<128x128xf32, #tpu.memory_space<vmem>>
      %dma_wait3A_481 = arith.constant 0 : i32
      %dma_wait3A_482 = tpu.memref_slice %arg5[%dma_wait3A_481] : memref<6400xi32, #tpu.memory_space<vmem>> -> memref<128xi32, #tpu.memory_space<vmem>>
      %dma_wait3A_483 = arith.constant 0 : i32
      %dma_wait3A_484 = arith.constant 0 : i32
      %dma_wait3A_485 = tpu.memref_slice %arg2[%dma_wait3A_483, %dma_wait3A_484] : memref<100000x128xf32, #tpu.memory_space<hbm>> -> memref<100000x128xf32, #tpu.memory_space<hbm>>
      tpu.wait_indirect_dma semaphore(%arg9 : memref<!tpu.dma_semaphore, #tpu.memory_space<semaphore_mem>>) src(%dma_wait3A_485 : memref<100000x128xf32, #tpu.memory_space<hbm>>) dst(%dma_wait3A_480 : memref<128x128xf32, #tpu.memory_space<vmem>>)
      %mul3A_486 = arith.constant 128 : i32
      %mul3A_487 = arith.muli %add3A_449, %mul3A_486 : i32
      %add3A_488 = arith.addi %mul3A_2, %mul3A_487 : i32
      %dma_start3A_489 = arith.constant 2 : i32
      %dma_start3A_490 = arith.constant 0 : i32
      %dma_start3A_491 = arith.constant 0 : i32
      %dma_start3A_492 = tpu.memref_slice %arg6[%dma_start3A_489, %dma_start3A_490, %dma_start3A_491] : memref<7x128x128xf32, #tpu.memory_space<vmem>> -> memref<1x128x128xf32, #tpu.memory_space<vmem>>
      %dma_start3A_493 = tpu.memref_squeeze %dma_start3A_492 : memref<1x128x128xf32, #tpu.memory_space<vmem>> -> memref<128x128xf32, #tpu.memory_space<vmem>>
      %dma_start3A_494 = arith.constant 0 : i32
      %dma_start3A_495 = tpu.memref_slice %arg4[%add3A_488, %dma_start3A_494] : memref<204800x128xf32, #tpu.memory_space<hbm>> -> memref<128x128xf32, #tpu.memory_space<hbm>>
      %dma_start3A_496 = arith.constant 0 : i32
      %dma_start3A_497 = tpu.memref_slice %arg4[%add3A_488, %dma_start3A_496] : memref<204800x128xf32, #tpu.memory_space<hbm>> -> memref<128x128xf32, #tpu.memory_space<hbm>>
      %dma_start3A_498 = arith.constant 0 : i32
      %dma_start3A_499 = arith.constant 0 : i32
      %dma_start3A_500 = tpu.memref_slice %arg6[%dma_start3A_489, %dma_start3A_498, %dma_start3A_499] : memref<7x128x128xf32, #tpu.memory_space<vmem>> -> memref<1x128x128xf32, #tpu.memory_space<vmem>>
      %dma_start3A_501 = tpu.memref_squeeze %dma_start3A_500 : memref<1x128x128xf32, #tpu.memory_space<vmem>> -> memref<128x128xf32, #tpu.memory_space<vmem>>
      tpu.enqueue_dma source(%dma_start3A_501 : memref<128x128xf32, #tpu.memory_space<vmem>>) target(%dma_start3A_497 : memref<128x128xf32, #tpu.memory_space<hbm>>) target_semaphore(%arg16 : memref<!tpu.dma_semaphore, #tpu.memory_space<semaphore_mem>>)
      %add3A_502 = arith.constant 2 : i32
      %add3A_503 = arith.addi %add3A_393, %add3A_502 : i32
      %dma_wait3A_504 = arith.constant 2 : i32
      %dma_wait3A_505 = arith.constant 0 : i32
      %dma_wait3A_506 = arith.constant 0 : i32
      %dma_wait3A_507 = tpu.memref_slice %arg6[%dma_wait3A_504, %dma_wait3A_505, %dma_wait3A_506] : memref<7x128x128xf32, #tpu.memory_space<vmem>> -> memref<1x128x128xf32, #tpu.memory_space<vmem>>
      %dma_wait3A_508 = tpu.memref_squeeze %dma_wait3A_507 : memref<1x128x128xf32, #tpu.memory_space<vmem>> -> memref<128x128xf32, #tpu.memory_space<vmem>>
      %dma_wait3A_509 = arith.constant 0 : i32
      %dma_wait3A_510 = tpu.memref_slice %arg4[%mul3A_2, %dma_wait3A_509] : memref<204800x128xf32, #tpu.memory_space<hbm>> -> memref<128x128xf32, #tpu.memory_space<hbm>>
      %dma_wait3A_511 = arith.constant 0 : i32
      %dma_wait3A_512 = tpu.memref_slice %arg4[%mul3A_2, %dma_wait3A_511] : memref<204800x128xf32, #tpu.memory_space<hbm>> -> memref<128x128xf32, #tpu.memory_space<hbm>>
      %dma_wait3A_513 = arith.constant 0 : i32
      %dma_wait3A_514 = arith.constant 0 : i32
      %dma_wait3A_515 = tpu.memref_slice %arg6[%dma_wait3A_504, %dma_wait3A_513, %dma_wait3A_514] : memref<7x128x128xf32, #tpu.memory_space<vmem>> -> memref<1x128x128xf32, #tpu.memory_space<vmem>>
      %dma_wait3A_516 = tpu.memref_squeeze %dma_wait3A_515 : memref<1x128x128xf32, #tpu.memory_space<vmem>> -> memref<128x128xf32, #tpu.memory_space<vmem>>
      tpu.wait_dma2 semaphore(%arg16 : memref<!tpu.dma_semaphore, #tpu.memory_space<semaphore_mem>>) src(%dma_wait3A_516 : memref<128x128xf32, #tpu.memory_space<vmem>>) dst(%dma_wait3A_512 : memref<128x128xf32, #tpu.memory_space<hbm>>)
      %add3A_517 = arith.constant 6 : i32
      %add3A_518 = arith.addi %add3A_503, %add3A_517 : i32
      %mul3A_519 = arith.constant 128 : i32
      %mul3A_520 = arith.muli %add3A_518, %mul3A_519 : i32
      %dma_start3A_521 = arith.constant 2 : i32
      %dma_start3A_522 = arith.constant 0 : i32
      %dma_start3A_523 = arith.constant 0 : i32
      %dma_start3A_524 = tpu.memref_slice %arg6[%dma_start3A_521, %dma_start3A_522, %dma_start3A_523] : memref<7x128x128xf32, #tpu.memory_space<vmem>> -> memref<1x128x128xf32, #tpu.memory_space<vmem>>
      %dma_start3A_525 = tpu.memref_squeeze %dma_start3A_524 : memref<1x128x128xf32, #tpu.memory_space<vmem>> -> memref<128x128xf32, #tpu.memory_space<vmem>>
      %dma_start3A_526 = tpu.memref_slice %arg5[%mul3A_520] : memref<6400xi32, #tpu.memory_space<vmem>> -> memref<128xi32, #tpu.memory_space<vmem>>
      %dma_start3A_527 = arith.constant 0 : i32
      %dma_start3A_528 = arith.constant 0 : i32
      %dma_start3A_529 = tpu.memref_slice %arg2[%dma_start3A_527, %dma_start3A_528] : memref<100000x128xf32, #tpu.memory_space<hbm>> -> memref<100000x128xf32, #tpu.memory_space<hbm>>
      tpu.enqueue_indirect_dma source(%dma_start3A_529 : memref<100000x128xf32, #tpu.memory_space<hbm>>) target(%dma_start3A_525 : memref<128x128xf32, #tpu.memory_space<vmem>>) offsets(%dma_start3A_526 : memref<128xi32, #tpu.memory_space<vmem>>) semaphore(%arg9 : memref<!tpu.dma_semaphore, #tpu.memory_space<semaphore_mem>>)
      %dma_wait3A_530 = arith.constant 3 : i32
      %dma_wait3A_531 = arith.constant 0 : i32
      %dma_wait3A_532 = arith.constant 0 : i32
      %dma_wait3A_533 = tpu.memref_slice %arg6[%dma_wait3A_530, %dma_wait3A_531, %dma_wait3A_532] : memref<7x128x128xf32, #tpu.memory_space<vmem>> -> memref<1x128x128xf32, #tpu.memory_space<vmem>>
      %dma_wait3A_534 = tpu.memref_squeeze %dma_wait3A_533 : memref<1x128x128xf32, #tpu.memory_space<vmem>> -> memref<128x128xf32, #tpu.memory_space<vmem>>
      %dma_wait3A_535 = arith.constant 0 : i32
      %dma_wait3A_536 = tpu.memref_slice %arg5[%dma_wait3A_535] : memref<6400xi32, #tpu.memory_space<vmem>> -> memref<128xi32, #tpu.memory_space<vmem>>
      %dma_wait3A_537 = arith.constant 0 : i32
      %dma_wait3A_538 = arith.constant 0 : i32
      %dma_wait3A_539 = tpu.memref_slice %arg2[%dma_wait3A_537, %dma_wait3A_538] : memref<100000x128xf32, #tpu.memory_space<hbm>> -> memref<100000x128xf32, #tpu.memory_space<hbm>>
      tpu.wait_indirect_dma semaphore(%arg10 : memref<!tpu.dma_semaphore, #tpu.memory_space<semaphore_mem>>) src(%dma_wait3A_539 : memref<100000x128xf32, #tpu.memory_space<hbm>>) dst(%dma_wait3A_534 : memref<128x128xf32, #tpu.memory_space<vmem>>)
      %mul3A_540 = arith.constant 128 : i32
      %mul3A_541 = arith.muli %add3A_503, %mul3A_540 : i32
      %add3A_542 = arith.addi %mul3A_2, %mul3A_541 : i32
      %dma_start3A_543 = arith.constant 3 : i32
      %dma_start3A_544 = arith.constant 0 : i32
      %dma_start3A_545 = arith.constant 0 : i32
      %dma_start3A_546 = tpu.memref_slice %arg6[%dma_start3A_543, %dma_start3A_544, %dma_start3A_545] : memref<7x128x128xf32, #tpu.memory_space<vmem>> -> memref<1x128x128xf32, #tpu.memory_space<vmem>>
      %dma_start3A_547 = tpu.memref_squeeze %dma_start3A_546 : memref<1x128x128xf32, #tpu.memory_space<vmem>> -> memref<128x128xf32, #tpu.memory_space<vmem>>
      %dma_start3A_548 = arith.constant 0 : i32
      %dma_start3A_549 = tpu.memref_slice %arg4[%add3A_542, %dma_start3A_548] : memref<204800x128xf32, #tpu.memory_space<hbm>> -> memref<128x128xf32, #tpu.memory_space<hbm>>
      %dma_start3A_550 = arith.constant 0 : i32
      %dma_start3A_551 = tpu.memref_slice %arg4[%add3A_542, %dma_start3A_550] : memref<204800x128xf32, #tpu.memory_space<hbm>> -> memref<128x128xf32, #tpu.memory_space<hbm>>
      %dma_start3A_552 = arith.constant 0 : i32
      %dma_start3A_553 = arith.constant 0 : i32
      %dma_start3A_554 = tpu.memref_slice %arg6[%dma_start3A_543, %dma_start3A_552, %dma_start3A_553] : memref<7x128x128xf32, #tpu.memory_space<vmem>> -> memref<1x128x128xf32, #tpu.memory_space<vmem>>
      %dma_start3A_555 = tpu.memref_squeeze %dma_start3A_554 : memref<1x128x128xf32, #tpu.memory_space<vmem>> -> memref<128x128xf32, #tpu.memory_space<vmem>>
      tpu.enqueue_dma source(%dma_start3A_555 : memref<128x128xf32, #tpu.memory_space<vmem>>) target(%dma_start3A_551 : memref<128x128xf32, #tpu.memory_space<hbm>>) target_semaphore(%arg17 : memref<!tpu.dma_semaphore, #tpu.memory_space<semaphore_mem>>)
      %add3A_556 = arith.constant 3 : i32
      %add3A_557 = arith.addi %add3A_393, %add3A_556 : i32
      %dma_wait3A_558 = arith.constant 3 : i32
      %dma_wait3A_559 = arith.constant 0 : i32
      %dma_wait3A_560 = arith.constant 0 : i32
      %dma_wait3A_561 = tpu.memref_slice %arg6[%dma_wait3A_558, %dma_wait3A_559, %dma_wait3A_560] : memref<7x128x128xf32, #tpu.memory_space<vmem>> -> memref<1x128x128xf32, #tpu.memory_space<vmem>>
      %dma_wait3A_562 = tpu.memref_squeeze %dma_wait3A_561 : memref<1x128x128xf32, #tpu.memory_space<vmem>> -> memref<128x128xf32, #tpu.memory_space<vmem>>
      %dma_wait3A_563 = arith.constant 0 : i32
      %dma_wait3A_564 = tpu.memref_slice %arg4[%mul3A_2, %dma_wait3A_563] : memref<204800x128xf32, #tpu.memory_space<hbm>> -> memref<128x128xf32, #tpu.memory_space<hbm>>
      %dma_wait3A_565 = arith.constant 0 : i32
      %dma_wait3A_566 = tpu.memref_slice %arg4[%mul3A_2, %dma_wait3A_565] : memref<204800x128xf32, #tpu.memory_space<hbm>> -> memref<128x128xf32, #tpu.memory_space<hbm>>
      %dma_wait3A_567 = arith.constant 0 : i32
      %dma_wait3A_568 = arith.constant 0 : i32
      %dma_wait3A_569 = tpu.memref_slice %arg6[%dma_wait3A_558, %dma_wait3A_567, %dma_wait3A_568] : memref<7x128x128xf32, #tpu.memory_space<vmem>> -> memref<1x128x128xf32, #tpu.memory_space<vmem>>
      %dma_wait3A_570 = tpu.memref_squeeze %dma_wait3A_569 : memref<1x128x128xf32, #tpu.memory_space<vmem>> -> memref<128x128xf32, #tpu.memory_space<vmem>>
      tpu.wait_dma2 semaphore(%arg17 : memref<!tpu.dma_semaphore, #tpu.memory_space<semaphore_mem>>) src(%dma_wait3A_570 : memref<128x128xf32, #tpu.memory_space<vmem>>) dst(%dma_wait3A_566 : memref<128x128xf32, #tpu.memory_space<hbm>>)
      %add3A_571 = arith.constant 6 : i32
      %add3A_572 = arith.addi %add3A_557, %add3A_571 : i32
      %mul3A_573 = arith.constant 128 : i32
      %mul3A_574 = arith.muli %add3A_572, %mul3A_573 : i32
      %dma_start3A_575 = arith.constant 3 : i32
      %dma_start3A_576 = arith.constant 0 : i32
      %dma_start3A_577 = arith.constant 0 : i32
      %dma_start3A_578 = tpu.memref_slice %arg6[%dma_start3A_575, %dma_start3A_576, %dma_start3A_577] : memref<7x128x128xf32, #tpu.memory_space<vmem>> -> memref<1x128x128xf32, #tpu.memory_space<vmem>>
      %dma_start3A_579 = tpu.memref_squeeze %dma_start3A_578 : memref<1x128x128xf32, #tpu.memory_space<vmem>> -> memref<128x128xf32, #tpu.memory_space<vmem>>
      %dma_start3A_580 = tpu.memref_slice %arg5[%mul3A_574] : memref<6400xi32, #tpu.memory_space<vmem>> -> memref<128xi32, #tpu.memory_space<vmem>>
      %dma_start3A_581 = arith.constant 0 : i32
      %dma_start3A_582 = arith.constant 0 : i32
      %dma_start3A_583 = tpu.memref_slice %arg2[%dma_start3A_581, %dma_start3A_582] : memref<100000x128xf32, #tpu.memory_space<hbm>> -> memref<100000x128xf32, #tpu.memory_space<hbm>>
      tpu.enqueue_indirect_dma source(%dma_start3A_583 : memref<100000x128xf32, #tpu.memory_space<hbm>>) target(%dma_start3A_579 : memref<128x128xf32, #tpu.memory_space<vmem>>) offsets(%dma_start3A_580 : memref<128xi32, #tpu.memory_space<vmem>>) semaphore(%arg10 : memref<!tpu.dma_semaphore, #tpu.memory_space<semaphore_mem>>)
      %dma_wait3A_584 = arith.constant 4 : i32
      %dma_wait3A_585 = arith.constant 0 : i32
      %dma_wait3A_586 = arith.constant 0 : i32
      %dma_wait3A_587 = tpu.memref_slice %arg6[%dma_wait3A_584, %dma_wait3A_585, %dma_wait3A_586] : memref<7x128x128xf32, #tpu.memory_space<vmem>> -> memref<1x128x128xf32, #tpu.memory_space<vmem>>
      %dma_wait3A_588 = tpu.memref_squeeze %dma_wait3A_587 : memref<1x128x128xf32, #tpu.memory_space<vmem>> -> memref<128x128xf32, #tpu.memory_space<vmem>>
      %dma_wait3A_589 = arith.constant 0 : i32
      %dma_wait3A_590 = tpu.memref_slice %arg5[%dma_wait3A_589] : memref<6400xi32, #tpu.memory_space<vmem>> -> memref<128xi32, #tpu.memory_space<vmem>>
      %dma_wait3A_591 = arith.constant 0 : i32
      %dma_wait3A_592 = arith.constant 0 : i32
      %dma_wait3A_593 = tpu.memref_slice %arg2[%dma_wait3A_591, %dma_wait3A_592] : memref<100000x128xf32, #tpu.memory_space<hbm>> -> memref<100000x128xf32, #tpu.memory_space<hbm>>
      tpu.wait_indirect_dma semaphore(%arg11 : memref<!tpu.dma_semaphore, #tpu.memory_space<semaphore_mem>>) src(%dma_wait3A_593 : memref<100000x128xf32, #tpu.memory_space<hbm>>) dst(%dma_wait3A_588 : memref<128x128xf32, #tpu.memory_space<vmem>>)
      %mul3A_594 = arith.constant 128 : i32
      %mul3A_595 = arith.muli %add3A_557, %mul3A_594 : i32
      %add3A_596 = arith.addi %mul3A_2, %mul3A_595 : i32
      %dma_start3A_597 = arith.constant 4 : i32
      %dma_start3A_598 = arith.constant 0 : i32
      %dma_start3A_599 = arith.constant 0 : i32
      %dma_start3A_600 = tpu.memref_slice %arg6[%dma_start3A_597, %dma_start3A_598, %dma_start3A_599] : memref<7x128x128xf32, #tpu.memory_space<vmem>> -> memref<1x128x128xf32, #tpu.memory_space<vmem>>
      %dma_start3A_601 = tpu.memref_squeeze %dma_start3A_600 : memref<1x128x128xf32, #tpu.memory_space<vmem>> -> memref<128x128xf32, #tpu.memory_space<vmem>>
      %dma_start3A_602 = arith.constant 0 : i32
      %dma_start3A_603 = tpu.memref_slice %arg4[%add3A_596, %dma_start3A_602] : memref<204800x128xf32, #tpu.memory_space<hbm>> -> memref<128x128xf32, #tpu.memory_space<hbm>>
      %dma_start3A_604 = arith.constant 0 : i32
      %dma_start3A_605 = tpu.memref_slice %arg4[%add3A_596, %dma_start3A_604] : memref<204800x128xf32, #tpu.memory_space<hbm>> -> memref<128x128xf32, #tpu.memory_space<hbm>>
      %dma_start3A_606 = arith.constant 0 : i32
      %dma_start3A_607 = arith.constant 0 : i32
      %dma_start3A_608 = tpu.memref_slice %arg6[%dma_start3A_597, %dma_start3A_606, %dma_start3A_607] : memref<7x128x128xf32, #tpu.memory_space<vmem>> -> memref<1x128x128xf32, #tpu.memory_space<vmem>>
      %dma_start3A_609 = tpu.memref_squeeze %dma_start3A_608 : memref<1x128x128xf32, #tpu.memory_space<vmem>> -> memref<128x128xf32, #tpu.memory_space<vmem>>
      tpu.enqueue_dma source(%dma_start3A_609 : memref<128x128xf32, #tpu.memory_space<vmem>>) target(%dma_start3A_605 : memref<128x128xf32, #tpu.memory_space<hbm>>) target_semaphore(%arg18 : memref<!tpu.dma_semaphore, #tpu.memory_space<semaphore_mem>>)
      %add3A_610 = arith.constant 4 : i32
      %add3A_611 = arith.addi %add3A_393, %add3A_610 : i32
      %dma_wait3A_612 = arith.constant 4 : i32
      %dma_wait3A_613 = arith.constant 0 : i32
      %dma_wait3A_614 = arith.constant 0 : i32
      %dma_wait3A_615 = tpu.memref_slice %arg6[%dma_wait3A_612, %dma_wait3A_613, %dma_wait3A_614] : memref<7x128x128xf32, #tpu.memory_space<vmem>> -> memref<1x128x128xf32, #tpu.memory_space<vmem>>
      %dma_wait3A_616 = tpu.memref_squeeze %dma_wait3A_615 : memref<1x128x128xf32, #tpu.memory_space<vmem>> -> memref<128x128xf32, #tpu.memory_space<vmem>>
      %dma_wait3A_617 = arith.constant 0 : i32
      %dma_wait3A_618 = tpu.memref_slice %arg4[%mul3A_2, %dma_wait3A_617] : memref<204800x128xf32, #tpu.memory_space<hbm>> -> memref<128x128xf32, #tpu.memory_space<hbm>>
      %dma_wait3A_619 = arith.constant 0 : i32
      %dma_wait3A_620 = tpu.memref_slice %arg4[%mul3A_2, %dma_wait3A_619] : memref<204800x128xf32, #tpu.memory_space<hbm>> -> memref<128x128xf32, #tpu.memory_space<hbm>>
      %dma_wait3A_621 = arith.constant 0 : i32
      %dma_wait3A_622 = arith.constant 0 : i32
      %dma_wait3A_623 = tpu.memref_slice %arg6[%dma_wait3A_612, %dma_wait3A_621, %dma_wait3A_622] : memref<7x128x128xf32, #tpu.memory_space<vmem>> -> memref<1x128x128xf32, #tpu.memory_space<vmem>>
      %dma_wait3A_624 = tpu.memref_squeeze %dma_wait3A_623 : memref<1x128x128xf32, #tpu.memory_space<vmem>> -> memref<128x128xf32, #tpu.memory_space<vmem>>
      tpu.wait_dma2 semaphore(%arg18 : memref<!tpu.dma_semaphore, #tpu.memory_space<semaphore_mem>>) src(%dma_wait3A_624 : memref<128x128xf32, #tpu.memory_space<vmem>>) dst(%dma_wait3A_620 : memref<128x128xf32, #tpu.memory_space<hbm>>)
      %add3A_625 = arith.constant 6 : i32
      %add3A_626 = arith.addi %add3A_611, %add3A_625 : i32
      %mul3A_627 = arith.constant 128 : i32
      %mul3A_628 = arith.muli %add3A_626, %mul3A_627 : i32
      %dma_start3A_629 = arith.constant 4 : i32
      %dma_start3A_630 = arith.constant 0 : i32
      %dma_start3A_631 = arith.constant 0 : i32
      %dma_start3A_632 = tpu.memref_slice %arg6[%dma_start3A_629, %dma_start3A_630, %dma_start3A_631] : memref<7x128x128xf32, #tpu.memory_space<vmem>> -> memref<1x128x128xf32, #tpu.memory_space<vmem>>
      %dma_start3A_633 = tpu.memref_squeeze %dma_start3A_632 : memref<1x128x128xf32, #tpu.memory_space<vmem>> -> memref<128x128xf32, #tpu.memory_space<vmem>>
      %dma_start3A_634 = tpu.memref_slice %arg5[%mul3A_628] : memref<6400xi32, #tpu.memory_space<vmem>> -> memref<128xi32, #tpu.memory_space<vmem>>
      %dma_start3A_635 = arith.constant 0 : i32
      %dma_start3A_636 = arith.constant 0 : i32
      %dma_start3A_637 = tpu.memref_slice %arg2[%dma_start3A_635, %dma_start3A_636] : memref<100000x128xf32, #tpu.memory_space<hbm>> -> memref<100000x128xf32, #tpu.memory_space<hbm>>
      tpu.enqueue_indirect_dma source(%dma_start3A_637 : memref<100000x128xf32, #tpu.memory_space<hbm>>) target(%dma_start3A_633 : memref<128x128xf32, #tpu.memory_space<vmem>>) offsets(%dma_start3A_634 : memref<128xi32, #tpu.memory_space<vmem>>) semaphore(%arg11 : memref<!tpu.dma_semaphore, #tpu.memory_space<semaphore_mem>>)
      %dma_wait3A_638 = arith.constant 5 : i32
      %dma_wait3A_639 = arith.constant 0 : i32
      %dma_wait3A_640 = arith.constant 0 : i32
      %dma_wait3A_641 = tpu.memref_slice %arg6[%dma_wait3A_638, %dma_wait3A_639, %dma_wait3A_640] : memref<7x128x128xf32, #tpu.memory_space<vmem>> -> memref<1x128x128xf32, #tpu.memory_space<vmem>>
      %dma_wait3A_642 = tpu.memref_squeeze %dma_wait3A_641 : memref<1x128x128xf32, #tpu.memory_space<vmem>> -> memref<128x128xf32, #tpu.memory_space<vmem>>
      %dma_wait3A_643 = arith.constant 0 : i32
      %dma_wait3A_644 = tpu.memref_slice %arg5[%dma_wait3A_643] : memref<6400xi32, #tpu.memory_space<vmem>> -> memref<128xi32, #tpu.memory_space<vmem>>
      %dma_wait3A_645 = arith.constant 0 : i32
      %dma_wait3A_646 = arith.constant 0 : i32
      %dma_wait3A_647 = tpu.memref_slice %arg2[%dma_wait3A_645, %dma_wait3A_646] : memref<100000x128xf32, #tpu.memory_space<hbm>> -> memref<100000x128xf32, #tpu.memory_space<hbm>>
      tpu.wait_indirect_dma semaphore(%arg12 : memref<!tpu.dma_semaphore, #tpu.memory_space<semaphore_mem>>) src(%dma_wait3A_647 : memref<100000x128xf32, #tpu.memory_space<hbm>>) dst(%dma_wait3A_642 : memref<128x128xf32, #tpu.memory_space<vmem>>)
      %mul3A_648 = arith.constant 128 : i32
      %mul3A_649 = arith.muli %add3A_611, %mul3A_648 : i32
      %add3A_650 = arith.addi %mul3A_2, %mul3A_649 : i32
      %dma_start3A_651 = arith.constant 5 : i32
      %dma_start3A_652 = arith.constant 0 : i32
      %dma_start3A_653 = arith.constant 0 : i32
      %dma_start3A_654 = tpu.memref_slice %arg6[%dma_start3A_651, %dma_start3A_652, %dma_start3A_653] : memref<7x128x128xf32, #tpu.memory_space<vmem>> -> memref<1x128x128xf32, #tpu.memory_space<vmem>>
      %dma_start3A_655 = tpu.memref_squeeze %dma_start3A_654 : memref<1x128x128xf32, #tpu.memory_space<vmem>> -> memref<128x128xf32, #tpu.memory_space<vmem>>
      %dma_start3A_656 = arith.constant 0 : i32
      %dma_start3A_657 = tpu.memref_slice %arg4[%add3A_650, %dma_start3A_656] : memref<204800x128xf32, #tpu.memory_space<hbm>> -> memref<128x128xf32, #tpu.memory_space<hbm>>
      %dma_start3A_658 = arith.constant 0 : i32
      %dma_start3A_659 = tpu.memref_slice %arg4[%add3A_650, %dma_start3A_658] : memref<204800x128xf32, #tpu.memory_space<hbm>> -> memref<128x128xf32, #tpu.memory_space<hbm>>
      %dma_start3A_660 = arith.constant 0 : i32
      %dma_start3A_661 = arith.constant 0 : i32
      %dma_start3A_662 = tpu.memref_slice %arg6[%dma_start3A_651, %dma_start3A_660, %dma_start3A_661] : memref<7x128x128xf32, #tpu.memory_space<vmem>> -> memref<1x128x128xf32, #tpu.memory_space<vmem>>
      %dma_start3A_663 = tpu.memref_squeeze %dma_start3A_662 : memref<1x128x128xf32, #tpu.memory_space<vmem>> -> memref<128x128xf32, #tpu.memory_space<vmem>>
      tpu.enqueue_dma source(%dma_start3A_663 : memref<128x128xf32, #tpu.memory_space<vmem>>) target(%dma_start3A_659 : memref<128x128xf32, #tpu.memory_space<hbm>>) target_semaphore(%arg19 : memref<!tpu.dma_semaphore, #tpu.memory_space<semaphore_mem>>)
      %add3A_664 = arith.constant 5 : i32
      %add3A_665 = arith.addi %add3A_393, %add3A_664 : i32
      %dma_wait3A_666 = arith.constant 5 : i32
      %dma_wait3A_667 = arith.constant 0 : i32
      %dma_wait3A_668 = arith.constant 0 : i32
      %dma_wait3A_669 = tpu.memref_slice %arg6[%dma_wait3A_666, %dma_wait3A_667, %dma_wait3A_668] : memref<7x128x128xf32, #tpu.memory_space<vmem>> -> memref<1x128x128xf32, #tpu.memory_space<vmem>>
      %dma_wait3A_670 = tpu.memref_squeeze %dma_wait3A_669 : memref<1x128x128xf32, #tpu.memory_space<vmem>> -> memref<128x128xf32, #tpu.memory_space<vmem>>
      %dma_wait3A_671 = arith.constant 0 : i32
      %dma_wait3A_672 = tpu.memref_slice %arg4[%mul3A_2, %dma_wait3A_671] : memref<204800x128xf32, #tpu.memory_space<hbm>> -> memref<128x128xf32, #tpu.memory_space<hbm>>
      %dma_wait3A_673 = arith.constant 0 : i32
      %dma_wait3A_674 = tpu.memref_slice %arg4[%mul3A_2, %dma_wait3A_673] : memref<204800x128xf32, #tpu.memory_space<hbm>> -> memref<128x128xf32, #tpu.memory_space<hbm>>
      %dma_wait3A_675 = arith.constant 0 : i32
      %dma_wait3A_676 = arith.constant 0 : i32
      %dma_wait3A_677 = tpu.memref_slice %arg6[%dma_wait3A_666, %dma_wait3A_675, %dma_wait3A_676] : memref<7x128x128xf32, #tpu.memory_space<vmem>> -> memref<1x128x128xf32, #tpu.memory_space<vmem>>
      %dma_wait3A_678 = tpu.memref_squeeze %dma_wait3A_677 : memref<1x128x128xf32, #tpu.memory_space<vmem>> -> memref<128x128xf32, #tpu.memory_space<vmem>>
      tpu.wait_dma2 semaphore(%arg19 : memref<!tpu.dma_semaphore, #tpu.memory_space<semaphore_mem>>) src(%dma_wait3A_678 : memref<128x128xf32, #tpu.memory_space<vmem>>) dst(%dma_wait3A_674 : memref<128x128xf32, #tpu.memory_space<hbm>>)
      %add3A_679 = arith.constant 6 : i32
      %add3A_680 = arith.addi %add3A_665, %add3A_679 : i32
      %mul3A_681 = arith.constant 128 : i32
      %mul3A_682 = arith.muli %add3A_680, %mul3A_681 : i32
      %dma_start3A_683 = arith.constant 5 : i32
      %dma_start3A_684 = arith.constant 0 : i32
      %dma_start3A_685 = arith.constant 0 : i32
      %dma_start3A_686 = tpu.memref_slice %arg6[%dma_start3A_683, %dma_start3A_684, %dma_start3A_685] : memref<7x128x128xf32, #tpu.memory_space<vmem>> -> memref<1x128x128xf32, #tpu.memory_space<vmem>>
      %dma_start3A_687 = tpu.memref_squeeze %dma_start3A_686 : memref<1x128x128xf32, #tpu.memory_space<vmem>> -> memref<128x128xf32, #tpu.memory_space<vmem>>
      %dma_start3A_688 = tpu.memref_slice %arg5[%mul3A_682] : memref<6400xi32, #tpu.memory_space<vmem>> -> memref<128xi32, #tpu.memory_space<vmem>>
      %dma_start3A_689 = arith.constant 0 : i32
      %dma_start3A_690 = arith.constant 0 : i32
      %dma_start3A_691 = tpu.memref_slice %arg2[%dma_start3A_689, %dma_start3A_690] : memref<100000x128xf32, #tpu.memory_space<hbm>> -> memref<100000x128xf32, #tpu.memory_space<hbm>>
      tpu.enqueue_indirect_dma source(%dma_start3A_691 : memref<100000x128xf32, #tpu.memory_space<hbm>>) target(%dma_start3A_687 : memref<128x128xf32, #tpu.memory_space<vmem>>) offsets(%dma_start3A_688 : memref<128xi32, #tpu.memory_space<vmem>>) semaphore(%arg12 : memref<!tpu.dma_semaphore, #tpu.memory_space<semaphore_mem>>)
      %dma_wait3A_692 = arith.constant 6 : i32
      %dma_wait3A_693 = arith.constant 0 : i32
      %dma_wait3A_694 = arith.constant 0 : i32
      %dma_wait3A_695 = tpu.memref_slice %arg6[%dma_wait3A_692, %dma_wait3A_693, %dma_wait3A_694] : memref<7x128x128xf32, #tpu.memory_space<vmem>> -> memref<1x128x128xf32, #tpu.memory_space<vmem>>
      %dma_wait3A_696 = tpu.memref_squeeze %dma_wait3A_695 : memref<1x128x128xf32, #tpu.memory_space<vmem>> -> memref<128x128xf32, #tpu.memory_space<vmem>>
      %dma_wait3A_697 = arith.constant 0 : i32
      %dma_wait3A_698 = tpu.memref_slice %arg5[%dma_wait3A_697] : memref<6400xi32, #tpu.memory_space<vmem>> -> memref<128xi32, #tpu.memory_space<vmem>>
      %dma_wait3A_699 = arith.constant 0 : i32
      %dma_wait3A_700 = arith.constant 0 : i32
      %dma_wait3A_701 = tpu.memref_slice %arg2[%dma_wait3A_699, %dma_wait3A_700] : memref<100000x128xf32, #tpu.memory_space<hbm>> -> memref<100000x128xf32, #tpu.memory_space<hbm>>
      tpu.wait_indirect_dma semaphore(%arg13 : memref<!tpu.dma_semaphore, #tpu.memory_space<semaphore_mem>>) src(%dma_wait3A_701 : memref<100000x128xf32, #tpu.memory_space<hbm>>) dst(%dma_wait3A_696 : memref<128x128xf32, #tpu.memory_space<vmem>>)
      %mul3A_702 = arith.constant 128 : i32
      %mul3A_703 = arith.muli %add3A_665, %mul3A_702 : i32
      %add3A_704 = arith.addi %mul3A_2, %mul3A_703 : i32
      %dma_start3A_705 = arith.constant 6 : i32
      %dma_start3A_706 = arith.constant 0 : i32
      %dma_start3A_707 = arith.constant 0 : i32
      %dma_start3A_708 = tpu.memref_slice %arg6[%dma_start3A_705, %dma_start3A_706, %dma_start3A_707] : memref<7x128x128xf32, #tpu.memory_space<vmem>> -> memref<1x128x128xf32, #tpu.memory_space<vmem>>
      %dma_start3A_709 = tpu.memref_squeeze %dma_start3A_708 : memref<1x128x128xf32, #tpu.memory_space<vmem>> -> memref<128x128xf32, #tpu.memory_space<vmem>>
      %dma_start3A_710 = arith.constant 0 : i32
      %dma_start3A_711 = tpu.memref_slice %arg4[%add3A_704, %dma_start3A_710] : memref<204800x128xf32, #tpu.memory_space<hbm>> -> memref<128x128xf32, #tpu.memory_space<hbm>>
      %dma_start3A_712 = arith.constant 0 : i32
      %dma_start3A_713 = tpu.memref_slice %arg4[%add3A_704, %dma_start3A_712] : memref<204800x128xf32, #tpu.memory_space<hbm>> -> memref<128x128xf32, #tpu.memory_space<hbm>>
      %dma_start3A_714 = arith.constant 0 : i32
      %dma_start3A_715 = arith.constant 0 : i32
      %dma_start3A_716 = tpu.memref_slice %arg6[%dma_start3A_705, %dma_start3A_714, %dma_start3A_715] : memref<7x128x128xf32, #tpu.memory_space<vmem>> -> memref<1x128x128xf32, #tpu.memory_space<vmem>>
      %dma_start3A_717 = tpu.memref_squeeze %dma_start3A_716 : memref<1x128x128xf32, #tpu.memory_space<vmem>> -> memref<128x128xf32, #tpu.memory_space<vmem>>
      tpu.enqueue_dma source(%dma_start3A_717 : memref<128x128xf32, #tpu.memory_space<vmem>>) target(%dma_start3A_713 : memref<128x128xf32, #tpu.memory_space<hbm>>) target_semaphore(%arg20 : memref<!tpu.dma_semaphore, #tpu.memory_space<semaphore_mem>>)
      %add3A_718 = arith.constant 6 : i32
      %add3A_719 = arith.addi %add3A_393, %add3A_718 : i32
      %dma_wait3A_720 = arith.constant 6 : i32
      %dma_wait3A_721 = arith.constant 0 : i32
      %dma_wait3A_722 = arith.constant 0 : i32
      %dma_wait3A_723 = tpu.memref_slice %arg6[%dma_wait3A_720, %dma_wait3A_721, %dma_wait3A_722] : memref<7x128x128xf32, #tpu.memory_space<vmem>> -> memref<1x128x128xf32, #tpu.memory_space<vmem>>
      %dma_wait3A_724 = tpu.memref_squeeze %dma_wait3A_723 : memref<1x128x128xf32, #tpu.memory_space<vmem>> -> memref<128x128xf32, #tpu.memory_space<vmem>>
      %dma_wait3A_725 = arith.constant 0 : i32
      %dma_wait3A_726 = tpu.memref_slice %arg4[%mul3A_2, %dma_wait3A_725] : memref<204800x128xf32, #tpu.memory_space<hbm>> -> memref<128x128xf32, #tpu.memory_space<hbm>>
      %dma_wait3A_727 = arith.constant 0 : i32
      %dma_wait3A_728 = tpu.memref_slice %arg4[%mul3A_2, %dma_wait3A_727] : memref<204800x128xf32, #tpu.memory_space<hbm>> -> memref<128x128xf32, #tpu.memory_space<hbm>>
      %dma_wait3A_729 = arith.constant 0 : i32
      %dma_wait3A_730 = arith.constant 0 : i32
      %dma_wait3A_731 = tpu.memref_slice %arg6[%dma_wait3A_720, %dma_wait3A_729, %dma_wait3A_730] : memref<7x128x128xf32, #tpu.memory_space<vmem>> -> memref<1x128x128xf32, #tpu.memory_space<vmem>>
      %dma_wait3A_732 = tpu.memref_squeeze %dma_wait3A_731 : memref<1x128x128xf32, #tpu.memory_space<vmem>> -> memref<128x128xf32, #tpu.memory_space<vmem>>
      tpu.wait_dma2 semaphore(%arg20 : memref<!tpu.dma_semaphore, #tpu.memory_space<semaphore_mem>>) src(%dma_wait3A_732 : memref<128x128xf32, #tpu.memory_space<vmem>>) dst(%dma_wait3A_728 : memref<128x128xf32, #tpu.memory_space<hbm>>)
      %add3A_733 = arith.constant 6 : i32
      %add3A_734 = arith.addi %add3A_719, %add3A_733 : i32
      %mul3A_735 = arith.constant 128 : i32
      %mul3A_736 = arith.muli %add3A_734, %mul3A_735 : i32
      %dma_start3A_737 = arith.constant 6 : i32
      %dma_start3A_738 = arith.constant 0 : i32
      %dma_start3A_739 = arith.constant 0 : i32
      %dma_start3A_740 = tpu.memref_slice %arg6[%dma_start3A_737, %dma_start3A_738, %dma_start3A_739] : memref<7x128x128xf32, #tpu.memory_space<vmem>> -> memref<1x128x128xf32, #tpu.memory_space<vmem>>
      %dma_start3A_741 = tpu.memref_squeeze %dma_start3A_740 : memref<1x128x128xf32, #tpu.memory_space<vmem>> -> memref<128x128xf32, #tpu.memory_space<vmem>>
      %dma_start3A_742 = tpu.memref_slice %arg5[%mul3A_736] : memref<6400xi32, #tpu.memory_space<vmem>> -> memref<128xi32, #tpu.memory_space<vmem>>
      %dma_start3A_743 = arith.constant 0 : i32
      %dma_start3A_744 = arith.constant 0 : i32
      %dma_start3A_745 = tpu.memref_slice %arg2[%dma_start3A_743, %dma_start3A_744] : memref<100000x128xf32, #tpu.memory_space<hbm>> -> memref<100000x128xf32, #tpu.memory_space<hbm>>
      tpu.enqueue_indirect_dma source(%dma_start3A_745 : memref<100000x128xf32, #tpu.memory_space<hbm>>) target(%dma_start3A_741 : memref<128x128xf32, #tpu.memory_space<vmem>>) offsets(%dma_start3A_742 : memref<128xi32, #tpu.memory_space<vmem>>) semaphore(%arg13 : memref<!tpu.dma_semaphore, #tpu.memory_space<semaphore_mem>>)
      %dma_wait3A_746 = arith.constant 0 : i32
      %dma_wait3A_747 = arith.constant 0 : i32
      %dma_wait3A_748 = arith.constant 0 : i32
      %dma_wait3A_749 = tpu.memref_slice %arg6[%dma_wait3A_746, %dma_wait3A_747, %dma_wait3A_748] : memref<7x128x128xf32, #tpu.memory_space<vmem>> -> memref<1x128x128xf32, #tpu.memory_space<vmem>>
      %dma_wait3A_750 = tpu.memref_squeeze %dma_wait3A_749 : memref<1x128x128xf32, #tpu.memory_space<vmem>> -> memref<128x128xf32, #tpu.memory_space<vmem>>
      %dma_wait3A_751 = arith.constant 0 : i32
      %dma_wait3A_752 = tpu.memref_slice %arg5[%dma_wait3A_751] : memref<6400xi32, #tpu.memory_space<vmem>> -> memref<128xi32, #tpu.memory_space<vmem>>
      %dma_wait3A_753 = arith.constant 0 : i32
      %dma_wait3A_754 = arith.constant 0 : i32
      %dma_wait3A_755 = tpu.memref_slice %arg2[%dma_wait3A_753, %dma_wait3A_754] : memref<100000x128xf32, #tpu.memory_space<hbm>> -> memref<100000x128xf32, #tpu.memory_space<hbm>>
      tpu.wait_indirect_dma semaphore(%arg7 : memref<!tpu.dma_semaphore, #tpu.memory_space<semaphore_mem>>) src(%dma_wait3A_755 : memref<100000x128xf32, #tpu.memory_space<hbm>>) dst(%dma_wait3A_750 : memref<128x128xf32, #tpu.memory_space<vmem>>)
      %mul3A_756 = arith.constant 128 : i32
      %mul3A_757 = arith.muli %add3A_719, %mul3A_756 : i32
      %add3A_758 = arith.addi %mul3A_2, %mul3A_757 : i32
      %dma_start3A_759 = arith.constant 0 : i32
      %dma_start3A_760 = arith.constant 0 : i32
      %dma_start3A_761 = arith.constant 0 : i32
      %dma_start3A_762 = tpu.memref_slice %arg6[%dma_start3A_759, %dma_start3A_760, %dma_start3A_761] : memref<7x128x128xf32, #tpu.memory_space<vmem>> -> memref<1x128x128xf32, #tpu.memory_space<vmem>>
      %dma_start3A_763 = tpu.memref_squeeze %dma_start3A_762 : memref<1x128x128xf32, #tpu.memory_space<vmem>> -> memref<128x128xf32, #tpu.memory_space<vmem>>
      %dma_start3A_764 = arith.constant 0 : i32
      %dma_start3A_765 = tpu.memref_slice %arg4[%add3A_758, %dma_start3A_764] : memref<204800x128xf32, #tpu.memory_space<hbm>> -> memref<128x128xf32, #tpu.memory_space<hbm>>
      %dma_start3A_766 = arith.constant 0 : i32
      %dma_start3A_767 = tpu.memref_slice %arg4[%add3A_758, %dma_start3A_766] : memref<204800x128xf32, #tpu.memory_space<hbm>> -> memref<128x128xf32, #tpu.memory_space<hbm>>
      %dma_start3A_768 = arith.constant 0 : i32
      %dma_start3A_769 = arith.constant 0 : i32
      %dma_start3A_770 = tpu.memref_slice %arg6[%dma_start3A_759, %dma_start3A_768, %dma_start3A_769] : memref<7x128x128xf32, #tpu.memory_space<vmem>> -> memref<1x128x128xf32, #tpu.memory_space<vmem>>
      %dma_start3A_771 = tpu.memref_squeeze %dma_start3A_770 : memref<1x128x128xf32, #tpu.memory_space<vmem>> -> memref<128x128xf32, #tpu.memory_space<vmem>>
      tpu.enqueue_dma source(%dma_start3A_771 : memref<128x128xf32, #tpu.memory_space<vmem>>) target(%dma_start3A_767 : memref<128x128xf32, #tpu.memory_space<hbm>>) target_semaphore(%arg14 : memref<!tpu.dma_semaphore, #tpu.memory_space<semaphore_mem>>)
    }
    %scan3A_99 = arith.constant 6 : i32
    %dma_wait3A_100 = arith.constant 0 : i32
    %dma_wait3A_101 = arith.constant 0 : i32
    %dma_wait3A_102 = arith.constant 0 : i32
    %dma_wait3A_103 = tpu.memref_slice %arg6[%dma_wait3A_100, %dma_wait3A_101, %dma_wait3A_102] : memref<7x128x128xf32, #tpu.memory_space<vmem>> -> memref<1x128x128xf32, #tpu.memory_space<vmem>>
    %dma_wait3A_104 = tpu.memref_squeeze %dma_wait3A_103 : memref<1x128x128xf32, #tpu.memory_space<vmem>> -> memref<128x128xf32, #tpu.memory_space<vmem>>
    %dma_wait3A_105 = arith.constant 0 : i32
    %dma_wait3A_106 = tpu.memref_slice %arg4[%mul3A_2, %dma_wait3A_105] : memref<204800x128xf32, #tpu.memory_space<hbm>> -> memref<128x128xf32, #tpu.memory_space<hbm>>
    %dma_wait3A_107 = arith.constant 0 : i32
    %dma_wait3A_108 = tpu.memref_slice %arg4[%mul3A_2, %dma_wait3A_107] : memref<204800x128xf32, #tpu.memory_space<hbm>> -> memref<128x128xf32, #tpu.memory_space<hbm>>
    %dma_wait3A_109 = arith.constant 0 : i32
    %dma_wait3A_110 = arith.constant 0 : i32
    %dma_wait3A_111 = tpu.memref_slice %arg6[%dma_wait3A_100, %dma_wait3A_109, %dma_wait3A_110] : memref<7x128x128xf32, #tpu.memory_space<vmem>> -> memref<1x128x128xf32, #tpu.memory_space<vmem>>
    %dma_wait3A_112 = tpu.memref_squeeze %dma_wait3A_111 : memref<1x128x128xf32, #tpu.memory_space<vmem>> -> memref<128x128xf32, #tpu.memory_space<vmem>>
    tpu.wait_dma2 semaphore(%arg14 : memref<!tpu.dma_semaphore, #tpu.memory_space<semaphore_mem>>) src(%dma_wait3A_112 : memref<128x128xf32, #tpu.memory_space<vmem>>) dst(%dma_wait3A_108 : memref<128x128xf32, #tpu.memory_space<hbm>>)
    %dma_start3A_113 = arith.constant 0 : i32
    %dma_start3A_114 = arith.constant 0 : i32
    %dma_start3A_115 = arith.constant 0 : i32
    %dma_start3A_116 = tpu.memref_slice %arg6[%dma_start3A_113, %dma_start3A_114, %dma_start3A_115] : memref<7x128x128xf32, #tpu.memory_space<vmem>> -> memref<1x128x128xf32, #tpu.memory_space<vmem>>
    %dma_start3A_117 = tpu.memref_squeeze %dma_start3A_116 : memref<1x128x128xf32, #tpu.memory_space<vmem>> -> memref<128x128xf32, #tpu.memory_space<vmem>>
    %dma_start3A_118 = arith.constant 6272 : i32
    %dma_start3A_119 = tpu.memref_slice %arg5[%dma_start3A_118] : memref<6400xi32, #tpu.memory_space<vmem>> -> memref<128xi32, #tpu.memory_space<vmem>>
    %dma_start3A_120 = arith.constant 0 : i32
    %dma_start3A_121 = arith.constant 0 : i32
    %dma_start3A_122 = tpu.memref_slice %arg2[%dma_start3A_120, %dma_start3A_121] : memref<100000x128xf32, #tpu.memory_space<hbm>> -> memref<100000x128xf32, #tpu.memory_space<hbm>>
    tpu.enqueue_indirect_dma source(%dma_start3A_122 : memref<100000x128xf32, #tpu.memory_space<hbm>>) target(%dma_start3A_117 : memref<128x128xf32, #tpu.memory_space<vmem>>) offsets(%dma_start3A_119 : memref<128xi32, #tpu.memory_space<vmem>>) semaphore(%arg7 : memref<!tpu.dma_semaphore, #tpu.memory_space<semaphore_mem>>)
    %dma_wait3A_123 = arith.constant 1 : i32
    %dma_wait3A_124 = arith.constant 0 : i32
    %dma_wait3A_125 = arith.constant 0 : i32
    %dma_wait3A_126 = tpu.memref_slice %arg6[%dma_wait3A_123, %dma_wait3A_124, %dma_wait3A_125] : memref<7x128x128xf32, #tpu.memory_space<vmem>> -> memref<1x128x128xf32, #tpu.memory_space<vmem>>
    %dma_wait3A_127 = tpu.memref_squeeze %dma_wait3A_126 : memref<1x128x128xf32, #tpu.memory_space<vmem>> -> memref<128x128xf32, #tpu.memory_space<vmem>>
    %dma_wait3A_128 = arith.constant 0 : i32
    %dma_wait3A_129 = tpu.memref_slice %arg5[%dma_wait3A_128] : memref<6400xi32, #tpu.memory_space<vmem>> -> memref<128xi32, #tpu.memory_space<vmem>>
    %dma_wait3A_130 = arith.constant 0 : i32
    %dma_wait3A_131 = arith.constant 0 : i32
    %dma_wait3A_132 = tpu.memref_slice %arg2[%dma_wait3A_130, %dma_wait3A_131] : memref<100000x128xf32, #tpu.memory_space<hbm>> -> memref<100000x128xf32, #tpu.memory_space<hbm>>
    tpu.wait_indirect_dma semaphore(%arg8 : memref<!tpu.dma_semaphore, #tpu.memory_space<semaphore_mem>>) src(%dma_wait3A_132 : memref<100000x128xf32, #tpu.memory_space<hbm>>) dst(%dma_wait3A_127 : memref<128x128xf32, #tpu.memory_space<vmem>>)
    %add3A_133 = arith.constant 5504 : i32
    %add3A_134 = arith.addi %mul3A_2, %add3A_133 : i32
    %dma_start3A_135 = arith.constant 1 : i32
    %dma_start3A_136 = arith.constant 0 : i32
    %dma_start3A_137 = arith.constant 0 : i32
    %dma_start3A_138 = tpu.memref_slice %arg6[%dma_start3A_135, %dma_start3A_136, %dma_start3A_137] : memref<7x128x128xf32, #tpu.memory_space<vmem>> -> memref<1x128x128xf32, #tpu.memory_space<vmem>>
    %dma_start3A_139 = tpu.memref_squeeze %dma_start3A_138 : memref<1x128x128xf32, #tpu.memory_space<vmem>> -> memref<128x128xf32, #tpu.memory_space<vmem>>
    %dma_start3A_140 = arith.constant 0 : i32
    %dma_start3A_141 = tpu.memref_slice %arg4[%add3A_134, %dma_start3A_140] : memref<204800x128xf32, #tpu.memory_space<hbm>> -> memref<128x128xf32, #tpu.memory_space<hbm>>
    %dma_start3A_142 = arith.constant 0 : i32
    %dma_start3A_143 = tpu.memref_slice %arg4[%add3A_134, %dma_start3A_142] : memref<204800x128xf32, #tpu.memory_space<hbm>> -> memref<128x128xf32, #tpu.memory_space<hbm>>
    %dma_start3A_144 = arith.constant 0 : i32
    %dma_start3A_145 = arith.constant 0 : i32
    %dma_start3A_146 = tpu.memref_slice %arg6[%dma_start3A_135, %dma_start3A_144, %dma_start3A_145] : memref<7x128x128xf32, #tpu.memory_space<vmem>> -> memref<1x128x128xf32, #tpu.memory_space<vmem>>
    %dma_start3A_147 = tpu.memref_squeeze %dma_start3A_146 : memref<1x128x128xf32, #tpu.memory_space<vmem>> -> memref<128x128xf32, #tpu.memory_space<vmem>>
    tpu.enqueue_dma source(%dma_start3A_147 : memref<128x128xf32, #tpu.memory_space<vmem>>) target(%dma_start3A_143 : memref<128x128xf32, #tpu.memory_space<hbm>>) target_semaphore(%arg15 : memref<!tpu.dma_semaphore, #tpu.memory_space<semaphore_mem>>)
    %dma_wait3A_148 = arith.constant 1 : i32
    %dma_wait3A_149 = arith.constant 0 : i32
    %dma_wait3A_150 = arith.constant 0 : i32
    %dma_wait3A_151 = tpu.memref_slice %arg6[%dma_wait3A_148, %dma_wait3A_149, %dma_wait3A_150] : memref<7x128x128xf32, #tpu.memory_space<vmem>> -> memref<1x128x128xf32, #tpu.memory_space<vmem>>
    %dma_wait3A_152 = tpu.memref_squeeze %dma_wait3A_151 : memref<1x128x128xf32, #tpu.memory_space<vmem>> -> memref<128x128xf32, #tpu.memory_space<vmem>>
    %dma_wait3A_153 = arith.constant 0 : i32
    %dma_wait3A_154 = tpu.memref_slice %arg4[%mul3A_2, %dma_wait3A_153] : memref<204800x128xf32, #tpu.memory_space<hbm>> -> memref<128x128xf32, #tpu.memory_space<hbm>>
    %dma_wait3A_155 = arith.constant 0 : i32
    %dma_wait3A_156 = tpu.memref_slice %arg4[%mul3A_2, %dma_wait3A_155] : memref<204800x128xf32, #tpu.memory_space<hbm>> -> memref<128x128xf32, #tpu.memory_space<hbm>>
    %dma_wait3A_157 = arith.constant 0 : i32
    %dma_wait3A_158 = arith.constant 0 : i32
    %dma_wait3A_159 = tpu.memref_slice %arg6[%dma_wait3A_148, %dma_wait3A_157, %dma_wait3A_158] : memref<7x128x128xf32, #tpu.memory_space<vmem>> -> memref<1x128x128xf32, #tpu.memory_space<vmem>>
    %dma_wait3A_160 = tpu.memref_squeeze %dma_wait3A_159 : memref<1x128x128xf32, #tpu.memory_space<vmem>> -> memref<128x128xf32, #tpu.memory_space<vmem>>
    tpu.wait_dma2 semaphore(%arg15 : memref<!tpu.dma_semaphore, #tpu.memory_space<semaphore_mem>>) src(%dma_wait3A_160 : memref<128x128xf32, #tpu.memory_space<vmem>>) dst(%dma_wait3A_156 : memref<128x128xf32, #tpu.memory_space<hbm>>)
    %dma_wait3A_161 = arith.constant 2 : i32
    %dma_wait3A_162 = arith.constant 0 : i32
    %dma_wait3A_163 = arith.constant 0 : i32
    %dma_wait3A_164 = tpu.memref_slice %arg6[%dma_wait3A_161, %dma_wait3A_162, %dma_wait3A_163] : memref<7x128x128xf32, #tpu.memory_space<vmem>> -> memref<1x128x128xf32, #tpu.memory_space<vmem>>
    %dma_wait3A_165 = tpu.memref_squeeze %dma_wait3A_164 : memref<1x128x128xf32, #tpu.memory_space<vmem>> -> memref<128x128xf32, #tpu.memory_space<vmem>>
    %dma_wait3A_166 = arith.constant 0 : i32
    %dma_wait3A_167 = tpu.memref_slice %arg5[%dma_wait3A_166] : memref<6400xi32, #tpu.memory_space<vmem>> -> memref<128xi32, #tpu.memory_space<vmem>>
    %dma_wait3A_168 = arith.constant 0 : i32
    %dma_wait3A_169 = arith.constant 0 : i32
    %dma_wait3A_170 = tpu.memref_slice %arg2[%dma_wait3A_168, %dma_wait3A_169] : memref<100000x128xf32, #tpu.memory_space<hbm>> -> memref<100000x128xf32, #tpu.memory_space<hbm>>
    tpu.wait_indirect_dma semaphore(%arg9 : memref<!tpu.dma_semaphore, #tpu.memory_space<semaphore_mem>>) src(%dma_wait3A_170 : memref<100000x128xf32, #tpu.memory_space<hbm>>) dst(%dma_wait3A_165 : memref<128x128xf32, #tpu.memory_space<vmem>>)
    %add3A_171 = arith.constant 5632 : i32
    %add3A_172 = arith.addi %mul3A_2, %add3A_171 : i32
    %dma_start3A_173 = arith.constant 2 : i32
    %dma_start3A_174 = arith.constant 0 : i32
    %dma_start3A_175 = arith.constant 0 : i32
    %dma_start3A_176 = tpu.memref_slice %arg6[%dma_start3A_173, %dma_start3A_174, %dma_start3A_175] : memref<7x128x128xf32, #tpu.memory_space<vmem>> -> memref<1x128x128xf32, #tpu.memory_space<vmem>>
    %dma_start3A_177 = tpu.memref_squeeze %dma_start3A_176 : memref<1x128x128xf32, #tpu.memory_space<vmem>> -> memref<128x128xf32, #tpu.memory_space<vmem>>
    %dma_start3A_178 = arith.constant 0 : i32
    %dma_start3A_179 = tpu.memref_slice %arg4[%add3A_172, %dma_start3A_178] : memref<204800x128xf32, #tpu.memory_space<hbm>> -> memref<128x128xf32, #tpu.memory_space<hbm>>
    %dma_start3A_180 = arith.constant 0 : i32
    %dma_start3A_181 = tpu.memref_slice %arg4[%add3A_172, %dma_start3A_180] : memref<204800x128xf32, #tpu.memory_space<hbm>> -> memref<128x128xf32, #tpu.memory_space<hbm>>
    %dma_start3A_182 = arith.constant 0 : i32
    %dma_start3A_183 = arith.constant 0 : i32
    %dma_start3A_184 = tpu.memref_slice %arg6[%dma_start3A_173, %dma_start3A_182, %dma_start3A_183] : memref<7x128x128xf32, #tpu.memory_space<vmem>> -> memref<1x128x128xf32, #tpu.memory_space<vmem>>
    %dma_start3A_185 = tpu.memref_squeeze %dma_start3A_184 : memref<1x128x128xf32, #tpu.memory_space<vmem>> -> memref<128x128xf32, #tpu.memory_space<vmem>>
    tpu.enqueue_dma source(%dma_start3A_185 : memref<128x128xf32, #tpu.memory_space<vmem>>) target(%dma_start3A_181 : memref<128x128xf32, #tpu.memory_space<hbm>>) target_semaphore(%arg16 : memref<!tpu.dma_semaphore, #tpu.memory_space<semaphore_mem>>)
    %dma_wait3A_186 = arith.constant 2 : i32
    %dma_wait3A_187 = arith.constant 0 : i32
    %dma_wait3A_188 = arith.constant 0 : i32
    %dma_wait3A_189 = tpu.memref_slice %arg6[%dma_wait3A_186, %dma_wait3A_187, %dma_wait3A_188] : memref<7x128x128xf32, #tpu.memory_space<vmem>> -> memref<1x128x128xf32, #tpu.memory_space<vmem>>
    %dma_wait3A_190 = tpu.memref_squeeze %dma_wait3A_189 : memref<1x128x128xf32, #tpu.memory_space<vmem>> -> memref<128x128xf32, #tpu.memory_space<vmem>>
    %dma_wait3A_191 = arith.constant 0 : i32
    %dma_wait3A_192 = tpu.memref_slice %arg4[%mul3A_2, %dma_wait3A_191] : memref<204800x128xf32, #tpu.memory_space<hbm>> -> memref<128x128xf32, #tpu.memory_space<hbm>>
    %dma_wait3A_193 = arith.constant 0 : i32
    %dma_wait3A_194 = tpu.memref_slice %arg4[%mul3A_2, %dma_wait3A_193] : memref<204800x128xf32, #tpu.memory_space<hbm>> -> memref<128x128xf32, #tpu.memory_space<hbm>>
    %dma_wait3A_195 = arith.constant 0 : i32
    %dma_wait3A_196 = arith.constant 0 : i32
    %dma_wait3A_197 = tpu.memref_slice %arg6[%dma_wait3A_186, %dma_wait3A_195, %dma_wait3A_196] : memref<7x128x128xf32, #tpu.memory_space<vmem>> -> memref<1x128x128xf32, #tpu.memory_space<vmem>>
    %dma_wait3A_198 = tpu.memref_squeeze %dma_wait3A_197 : memref<1x128x128xf32, #tpu.memory_space<vmem>> -> memref<128x128xf32, #tpu.memory_space<vmem>>
    tpu.wait_dma2 semaphore(%arg16 : memref<!tpu.dma_semaphore, #tpu.memory_space<semaphore_mem>>) src(%dma_wait3A_198 : memref<128x128xf32, #tpu.memory_space<vmem>>) dst(%dma_wait3A_194 : memref<128x128xf32, #tpu.memory_space<hbm>>)
    %dma_wait3A_199 = arith.constant 3 : i32
    %dma_wait3A_200 = arith.constant 0 : i32
    %dma_wait3A_201 = arith.constant 0 : i32
    %dma_wait3A_202 = tpu.memref_slice %arg6[%dma_wait3A_199, %dma_wait3A_200, %dma_wait3A_201] : memref<7x128x128xf32, #tpu.memory_space<vmem>> -> memref<1x128x128xf32, #tpu.memory_space<vmem>>
    %dma_wait3A_203 = tpu.memref_squeeze %dma_wait3A_202 : memref<1x128x128xf32, #tpu.memory_space<vmem>> -> memref<128x128xf32, #tpu.memory_space<vmem>>
    %dma_wait3A_204 = arith.constant 0 : i32
    %dma_wait3A_205 = tpu.memref_slice %arg5[%dma_wait3A_204] : memref<6400xi32, #tpu.memory_space<vmem>> -> memref<128xi32, #tpu.memory_space<vmem>>
    %dma_wait3A_206 = arith.constant 0 : i32
    %dma_wait3A_207 = arith.constant 0 : i32
    %dma_wait3A_208 = tpu.memref_slice %arg2[%dma_wait3A_206, %dma_wait3A_207] : memref<100000x128xf32, #tpu.memory_space<hbm>> -> memref<100000x128xf32, #tpu.memory_space<hbm>>
    tpu.wait_indirect_dma semaphore(%arg10 : memref<!tpu.dma_semaphore, #tpu.memory_space<semaphore_mem>>) src(%dma_wait3A_208 : memref<100000x128xf32, #tpu.memory_space<hbm>>) dst(%dma_wait3A_203 : memref<128x128xf32, #tpu.memory_space<vmem>>)
    %add3A_209 = arith.constant 5760 : i32
    %add3A_210 = arith.addi %mul3A_2, %add3A_209 : i32
    %dma_start3A_211 = arith.constant 3 : i32
    %dma_start3A_212 = arith.constant 0 : i32
    %dma_start3A_213 = arith.constant 0 : i32
    %dma_start3A_214 = tpu.memref_slice %arg6[%dma_start3A_211, %dma_start3A_212, %dma_start3A_213] : memref<7x128x128xf32, #tpu.memory_space<vmem>> -> memref<1x128x128xf32, #tpu.memory_space<vmem>>
    %dma_start3A_215 = tpu.memref_squeeze %dma_start3A_214 : memref<1x128x128xf32, #tpu.memory_space<vmem>> -> memref<128x128xf32, #tpu.memory_space<vmem>>
    %dma_start3A_216 = arith.constant 0 : i32
    %dma_start3A_217 = tpu.memref_slice %arg4[%add3A_210, %dma_start3A_216] : memref<204800x128xf32, #tpu.memory_space<hbm>> -> memref<128x128xf32, #tpu.memory_space<hbm>>
    %dma_start3A_218 = arith.constant 0 : i32
    %dma_start3A_219 = tpu.memref_slice %arg4[%add3A_210, %dma_start3A_218] : memref<204800x128xf32, #tpu.memory_space<hbm>> -> memref<128x128xf32, #tpu.memory_space<hbm>>
    %dma_start3A_220 = arith.constant 0 : i32
    %dma_start3A_221 = arith.constant 0 : i32
    %dma_start3A_222 = tpu.memref_slice %arg6[%dma_start3A_211, %dma_start3A_220, %dma_start3A_221] : memref<7x128x128xf32, #tpu.memory_space<vmem>> -> memref<1x128x128xf32, #tpu.memory_space<vmem>>
    %dma_start3A_223 = tpu.memref_squeeze %dma_start3A_222 : memref<1x128x128xf32, #tpu.memory_space<vmem>> -> memref<128x128xf32, #tpu.memory_space<vmem>>
    tpu.enqueue_dma source(%dma_start3A_223 : memref<128x128xf32, #tpu.memory_space<vmem>>) target(%dma_start3A_219 : memref<128x128xf32, #tpu.memory_space<hbm>>) target_semaphore(%arg17 : memref<!tpu.dma_semaphore, #tpu.memory_space<semaphore_mem>>)
    %dma_wait3A_224 = arith.constant 3 : i32
    %dma_wait3A_225 = arith.constant 0 : i32
    %dma_wait3A_226 = arith.constant 0 : i32
    %dma_wait3A_227 = tpu.memref_slice %arg6[%dma_wait3A_224, %dma_wait3A_225, %dma_wait3A_226] : memref<7x128x128xf32, #tpu.memory_space<vmem>> -> memref<1x128x128xf32, #tpu.memory_space<vmem>>
    %dma_wait3A_228 = tpu.memref_squeeze %dma_wait3A_227 : memref<1x128x128xf32, #tpu.memory_space<vmem>> -> memref<128x128xf32, #tpu.memory_space<vmem>>
    %dma_wait3A_229 = arith.constant 0 : i32
    %dma_wait3A_230 = tpu.memref_slice %arg4[%mul3A_2, %dma_wait3A_229] : memref<204800x128xf32, #tpu.memory_space<hbm>> -> memref<128x128xf32, #tpu.memory_space<hbm>>
    %dma_wait3A_231 = arith.constant 0 : i32
    %dma_wait3A_232 = tpu.memref_slice %arg4[%mul3A_2, %dma_wait3A_231] : memref<204800x128xf32, #tpu.memory_space<hbm>> -> memref<128x128xf32, #tpu.memory_space<hbm>>
    %dma_wait3A_233 = arith.constant 0 : i32
    %dma_wait3A_234 = arith.constant 0 : i32
    %dma_wait3A_235 = tpu.memref_slice %arg6[%dma_wait3A_224, %dma_wait3A_233, %dma_wait3A_234] : memref<7x128x128xf32, #tpu.memory_space<vmem>> -> memref<1x128x128xf32, #tpu.memory_space<vmem>>
    %dma_wait3A_236 = tpu.memref_squeeze %dma_wait3A_235 : memref<1x128x128xf32, #tpu.memory_space<vmem>> -> memref<128x128xf32, #tpu.memory_space<vmem>>
    tpu.wait_dma2 semaphore(%arg17 : memref<!tpu.dma_semaphore, #tpu.memory_space<semaphore_mem>>) src(%dma_wait3A_236 : memref<128x128xf32, #tpu.memory_space<vmem>>) dst(%dma_wait3A_232 : memref<128x128xf32, #tpu.memory_space<hbm>>)
    %dma_wait3A_237 = arith.constant 4 : i32
    %dma_wait3A_238 = arith.constant 0 : i32
    %dma_wait3A_239 = arith.constant 0 : i32
    %dma_wait3A_240 = tpu.memref_slice %arg6[%dma_wait3A_237, %dma_wait3A_238, %dma_wait3A_239] : memref<7x128x128xf32, #tpu.memory_space<vmem>> -> memref<1x128x128xf32, #tpu.memory_space<vmem>>
    %dma_wait3A_241 = tpu.memref_squeeze %dma_wait3A_240 : memref<1x128x128xf32, #tpu.memory_space<vmem>> -> memref<128x128xf32, #tpu.memory_space<vmem>>
    %dma_wait3A_242 = arith.constant 0 : i32
    %dma_wait3A_243 = tpu.memref_slice %arg5[%dma_wait3A_242] : memref<6400xi32, #tpu.memory_space<vmem>> -> memref<128xi32, #tpu.memory_space<vmem>>
    %dma_wait3A_244 = arith.constant 0 : i32
    %dma_wait3A_245 = arith.constant 0 : i32
    %dma_wait3A_246 = tpu.memref_slice %arg2[%dma_wait3A_244, %dma_wait3A_245] : memref<100000x128xf32, #tpu.memory_space<hbm>> -> memref<100000x128xf32, #tpu.memory_space<hbm>>
    tpu.wait_indirect_dma semaphore(%arg11 : memref<!tpu.dma_semaphore, #tpu.memory_space<semaphore_mem>>) src(%dma_wait3A_246 : memref<100000x128xf32, #tpu.memory_space<hbm>>) dst(%dma_wait3A_241 : memref<128x128xf32, #tpu.memory_space<vmem>>)
    %add3A_247 = arith.constant 5888 : i32
    %add3A_248 = arith.addi %mul3A_2, %add3A_247 : i32
    %dma_start3A_249 = arith.constant 4 : i32
    %dma_start3A_250 = arith.constant 0 : i32
    %dma_start3A_251 = arith.constant 0 : i32
    %dma_start3A_252 = tpu.memref_slice %arg6[%dma_start3A_249, %dma_start3A_250, %dma_start3A_251] : memref<7x128x128xf32, #tpu.memory_space<vmem>> -> memref<1x128x128xf32, #tpu.memory_space<vmem>>
    %dma_start3A_253 = tpu.memref_squeeze %dma_start3A_252 : memref<1x128x128xf32, #tpu.memory_space<vmem>> -> memref<128x128xf32, #tpu.memory_space<vmem>>
    %dma_start3A_254 = arith.constant 0 : i32
    %dma_start3A_255 = tpu.memref_slice %arg4[%add3A_248, %dma_start3A_254] : memref<204800x128xf32, #tpu.memory_space<hbm>> -> memref<128x128xf32, #tpu.memory_space<hbm>>
    %dma_start3A_256 = arith.constant 0 : i32
    %dma_start3A_257 = tpu.memref_slice %arg4[%add3A_248, %dma_start3A_256] : memref<204800x128xf32, #tpu.memory_space<hbm>> -> memref<128x128xf32, #tpu.memory_space<hbm>>
    %dma_start3A_258 = arith.constant 0 : i32
    %dma_start3A_259 = arith.constant 0 : i32
    %dma_start3A_260 = tpu.memref_slice %arg6[%dma_start3A_249, %dma_start3A_258, %dma_start3A_259] : memref<7x128x128xf32, #tpu.memory_space<vmem>> -> memref<1x128x128xf32, #tpu.memory_space<vmem>>
    %dma_start3A_261 = tpu.memref_squeeze %dma_start3A_260 : memref<1x128x128xf32, #tpu.memory_space<vmem>> -> memref<128x128xf32, #tpu.memory_space<vmem>>
    tpu.enqueue_dma source(%dma_start3A_261 : memref<128x128xf32, #tpu.memory_space<vmem>>) target(%dma_start3A_257 : memref<128x128xf32, #tpu.memory_space<hbm>>) target_semaphore(%arg18 : memref<!tpu.dma_semaphore, #tpu.memory_space<semaphore_mem>>)
    %dma_wait3A_262 = arith.constant 4 : i32
    %dma_wait3A_263 = arith.constant 0 : i32
    %dma_wait3A_264 = arith.constant 0 : i32
    %dma_wait3A_265 = tpu.memref_slice %arg6[%dma_wait3A_262, %dma_wait3A_263, %dma_wait3A_264] : memref<7x128x128xf32, #tpu.memory_space<vmem>> -> memref<1x128x128xf32, #tpu.memory_space<vmem>>
    %dma_wait3A_266 = tpu.memref_squeeze %dma_wait3A_265 : memref<1x128x128xf32, #tpu.memory_space<vmem>> -> memref<128x128xf32, #tpu.memory_space<vmem>>
    %dma_wait3A_267 = arith.constant 0 : i32
    %dma_wait3A_268 = tpu.memref_slice %arg4[%mul3A_2, %dma_wait3A_267] : memref<204800x128xf32, #tpu.memory_space<hbm>> -> memref<128x128xf32, #tpu.memory_space<hbm>>
    %dma_wait3A_269 = arith.constant 0 : i32
    %dma_wait3A_270 = tpu.memref_slice %arg4[%mul3A_2, %dma_wait3A_269] : memref<204800x128xf32, #tpu.memory_space<hbm>> -> memref<128x128xf32, #tpu.memory_space<hbm>>
    %dma_wait3A_271 = arith.constant 0 : i32
    %dma_wait3A_272 = arith.constant 0 : i32
    %dma_wait3A_273 = tpu.memref_slice %arg6[%dma_wait3A_262, %dma_wait3A_271, %dma_wait3A_272] : memref<7x128x128xf32, #tpu.memory_space<vmem>> -> memref<1x128x128xf32, #tpu.memory_space<vmem>>
    %dma_wait3A_274 = tpu.memref_squeeze %dma_wait3A_273 : memref<1x128x128xf32, #tpu.memory_space<vmem>> -> memref<128x128xf32, #tpu.memory_space<vmem>>
    tpu.wait_dma2 semaphore(%arg18 : memref<!tpu.dma_semaphore, #tpu.memory_space<semaphore_mem>>) src(%dma_wait3A_274 : memref<128x128xf32, #tpu.memory_space<vmem>>) dst(%dma_wait3A_270 : memref<128x128xf32, #tpu.memory_space<hbm>>)
    %dma_wait3A_275 = arith.constant 5 : i32
    %dma_wait3A_276 = arith.constant 0 : i32
    %dma_wait3A_277 = arith.constant 0 : i32
    %dma_wait3A_278 = tpu.memref_slice %arg6[%dma_wait3A_275, %dma_wait3A_276, %dma_wait3A_277] : memref<7x128x128xf32, #tpu.memory_space<vmem>> -> memref<1x128x128xf32, #tpu.memory_space<vmem>>
    %dma_wait3A_279 = tpu.memref_squeeze %dma_wait3A_278 : memref<1x128x128xf32, #tpu.memory_space<vmem>> -> memref<128x128xf32, #tpu.memory_space<vmem>>
    %dma_wait3A_280 = arith.constant 0 : i32
    %dma_wait3A_281 = tpu.memref_slice %arg5[%dma_wait3A_280] : memref<6400xi32, #tpu.memory_space<vmem>> -> memref<128xi32, #tpu.memory_space<vmem>>
    %dma_wait3A_282 = arith.constant 0 : i32
    %dma_wait3A_283 = arith.constant 0 : i32
    %dma_wait3A_284 = tpu.memref_slice %arg2[%dma_wait3A_282, %dma_wait3A_283] : memref<100000x128xf32, #tpu.memory_space<hbm>> -> memref<100000x128xf32, #tpu.memory_space<hbm>>
    tpu.wait_indirect_dma semaphore(%arg12 : memref<!tpu.dma_semaphore, #tpu.memory_space<semaphore_mem>>) src(%dma_wait3A_284 : memref<100000x128xf32, #tpu.memory_space<hbm>>) dst(%dma_wait3A_279 : memref<128x128xf32, #tpu.memory_space<vmem>>)
    %add3A_285 = arith.constant 6016 : i32
    %add3A_286 = arith.addi %mul3A_2, %add3A_285 : i32
    %dma_start3A_287 = arith.constant 5 : i32
    %dma_start3A_288 = arith.constant 0 : i32
    %dma_start3A_289 = arith.constant 0 : i32
    %dma_start3A_290 = tpu.memref_slice %arg6[%dma_start3A_287, %dma_start3A_288, %dma_start3A_289] : memref<7x128x128xf32, #tpu.memory_space<vmem>> -> memref<1x128x128xf32, #tpu.memory_space<vmem>>
    %dma_start3A_291 = tpu.memref_squeeze %dma_start3A_290 : memref<1x128x128xf32, #tpu.memory_space<vmem>> -> memref<128x128xf32, #tpu.memory_space<vmem>>
    %dma_start3A_292 = arith.constant 0 : i32
    %dma_start3A_293 = tpu.memref_slice %arg4[%add3A_286, %dma_start3A_292] : memref<204800x128xf32, #tpu.memory_space<hbm>> -> memref<128x128xf32, #tpu.memory_space<hbm>>
    %dma_start3A_294 = arith.constant 0 : i32
    %dma_start3A_295 = tpu.memref_slice %arg4[%add3A_286, %dma_start3A_294] : memref<204800x128xf32, #tpu.memory_space<hbm>> -> memref<128x128xf32, #tpu.memory_space<hbm>>
    %dma_start3A_296 = arith.constant 0 : i32
    %dma_start3A_297 = arith.constant 0 : i32
    %dma_start3A_298 = tpu.memref_slice %arg6[%dma_start3A_287, %dma_start3A_296, %dma_start3A_297] : memref<7x128x128xf32, #tpu.memory_space<vmem>> -> memref<1x128x128xf32, #tpu.memory_space<vmem>>
    %dma_start3A_299 = tpu.memref_squeeze %dma_start3A_298 : memref<1x128x128xf32, #tpu.memory_space<vmem>> -> memref<128x128xf32, #tpu.memory_space<vmem>>
    tpu.enqueue_dma source(%dma_start3A_299 : memref<128x128xf32, #tpu.memory_space<vmem>>) target(%dma_start3A_295 : memref<128x128xf32, #tpu.memory_space<hbm>>) target_semaphore(%arg19 : memref<!tpu.dma_semaphore, #tpu.memory_space<semaphore_mem>>)
    %dma_wait3A_300 = arith.constant 5 : i32
    %dma_wait3A_301 = arith.constant 0 : i32
    %dma_wait3A_302 = arith.constant 0 : i32
    %dma_wait3A_303 = tpu.memref_slice %arg6[%dma_wait3A_300, %dma_wait3A_301, %dma_wait3A_302] : memref<7x128x128xf32, #tpu.memory_space<vmem>> -> memref<1x128x128xf32, #tpu.memory_space<vmem>>
    %dma_wait3A_304 = tpu.memref_squeeze %dma_wait3A_303 : memref<1x128x128xf32, #tpu.memory_space<vmem>> -> memref<128x128xf32, #tpu.memory_space<vmem>>
    %dma_wait3A_305 = arith.constant 0 : i32
    %dma_wait3A_306 = tpu.memref_slice %arg4[%mul3A_2, %dma_wait3A_305] : memref<204800x128xf32, #tpu.memory_space<hbm>> -> memref<128x128xf32, #tpu.memory_space<hbm>>
    %dma_wait3A_307 = arith.constant 0 : i32
    %dma_wait3A_308 = tpu.memref_slice %arg4[%mul3A_2, %dma_wait3A_307] : memref<204800x128xf32, #tpu.memory_space<hbm>> -> memref<128x128xf32, #tpu.memory_space<hbm>>
    %dma_wait3A_309 = arith.constant 0 : i32
    %dma_wait3A_310 = arith.constant 0 : i32
    %dma_wait3A_311 = tpu.memref_slice %arg6[%dma_wait3A_300, %dma_wait3A_309, %dma_wait3A_310] : memref<7x128x128xf32, #tpu.memory_space<vmem>> -> memref<1x128x128xf32, #tpu.memory_space<vmem>>
    %dma_wait3A_312 = tpu.memref_squeeze %dma_wait3A_311 : memref<1x128x128xf32, #tpu.memory_space<vmem>> -> memref<128x128xf32, #tpu.memory_space<vmem>>
    tpu.wait_dma2 semaphore(%arg19 : memref<!tpu.dma_semaphore, #tpu.memory_space<semaphore_mem>>) src(%dma_wait3A_312 : memref<128x128xf32, #tpu.memory_space<vmem>>) dst(%dma_wait3A_308 : memref<128x128xf32, #tpu.memory_space<hbm>>)
    %dma_wait3A_313 = arith.constant 6 : i32
    %dma_wait3A_314 = arith.constant 0 : i32
    %dma_wait3A_315 = arith.constant 0 : i32
    %dma_wait3A_316 = tpu.memref_slice %arg6[%dma_wait3A_313, %dma_wait3A_314, %dma_wait3A_315] : memref<7x128x128xf32, #tpu.memory_space<vmem>> -> memref<1x128x128xf32, #tpu.memory_space<vmem>>
    %dma_wait3A_317 = tpu.memref_squeeze %dma_wait3A_316 : memref<1x128x128xf32, #tpu.memory_space<vmem>> -> memref<128x128xf32, #tpu.memory_space<vmem>>
    %dma_wait3A_318 = arith.constant 0 : i32
    %dma_wait3A_319 = tpu.memref_slice %arg5[%dma_wait3A_318] : memref<6400xi32, #tpu.memory_space<vmem>> -> memref<128xi32, #tpu.memory_space<vmem>>
    %dma_wait3A_320 = arith.constant 0 : i32
    %dma_wait3A_321 = arith.constant 0 : i32
    %dma_wait3A_322 = tpu.memref_slice %arg2[%dma_wait3A_320, %dma_wait3A_321] : memref<100000x128xf32, #tpu.memory_space<hbm>> -> memref<100000x128xf32, #tpu.memory_space<hbm>>
    tpu.wait_indirect_dma semaphore(%arg13 : memref<!tpu.dma_semaphore, #tpu.memory_space<semaphore_mem>>) src(%dma_wait3A_322 : memref<100000x128xf32, #tpu.memory_space<hbm>>) dst(%dma_wait3A_317 : memref<128x128xf32, #tpu.memory_space<vmem>>)
    %add3A_323 = arith.constant 6144 : i32
    %add3A_324 = arith.addi %mul3A_2, %add3A_323 : i32
    %dma_start3A_325 = arith.constant 6 : i32
    %dma_start3A_326 = arith.constant 0 : i32
    %dma_start3A_327 = arith.constant 0 : i32
    %dma_start3A_328 = tpu.memref_slice %arg6[%dma_start3A_325, %dma_start3A_326, %dma_start3A_327] : memref<7x128x128xf32, #tpu.memory_space<vmem>> -> memref<1x128x128xf32, #tpu.memory_space<vmem>>
    %dma_start3A_329 = tpu.memref_squeeze %dma_start3A_328 : memref<1x128x128xf32, #tpu.memory_space<vmem>> -> memref<128x128xf32, #tpu.memory_space<vmem>>
    %dma_start3A_330 = arith.constant 0 : i32
    %dma_start3A_331 = tpu.memref_slice %arg4[%add3A_324, %dma_start3A_330] : memref<204800x128xf32, #tpu.memory_space<hbm>> -> memref<128x128xf32, #tpu.memory_space<hbm>>
    %dma_start3A_332 = arith.constant 0 : i32
    %dma_start3A_333 = tpu.memref_slice %arg4[%add3A_324, %dma_start3A_332] : memref<204800x128xf32, #tpu.memory_space<hbm>> -> memref<128x128xf32, #tpu.memory_space<hbm>>
    %dma_start3A_334 = arith.constant 0 : i32
    %dma_start3A_335 = arith.constant 0 : i32
    %dma_start3A_336 = tpu.memref_slice %arg6[%dma_start3A_325, %dma_start3A_334, %dma_start3A_335] : memref<7x128x128xf32, #tpu.memory_space<vmem>> -> memref<1x128x128xf32, #tpu.memory_space<vmem>>
    %dma_start3A_337 = tpu.memref_squeeze %dma_start3A_336 : memref<1x128x128xf32, #tpu.memory_space<vmem>> -> memref<128x128xf32, #tpu.memory_space<vmem>>
    tpu.enqueue_dma source(%dma_start3A_337 : memref<128x128xf32, #tpu.memory_space<vmem>>) target(%dma_start3A_333 : memref<128x128xf32, #tpu.memory_space<hbm>>) target_semaphore(%arg20 : memref<!tpu.dma_semaphore, #tpu.memory_space<semaphore_mem>>)
    %dma_wait3A_338 = arith.constant 6 : i32
    %dma_wait3A_339 = arith.constant 0 : i32
    %dma_wait3A_340 = arith.constant 0 : i32
    %dma_wait3A_341 = tpu.memref_slice %arg6[%dma_wait3A_338, %dma_wait3A_339, %dma_wait3A_340] : memref<7x128x128xf32, #tpu.memory_space<vmem>> -> memref<1x128x128xf32, #tpu.memory_space<vmem>>
    %dma_wait3A_342 = tpu.memref_squeeze %dma_wait3A_341 : memref<1x128x128xf32, #tpu.memory_space<vmem>> -> memref<128x128xf32, #tpu.memory_space<vmem>>
    %dma_wait3A_343 = arith.constant 0 : i32
    %dma_wait3A_344 = tpu.memref_slice %arg4[%mul3A_2, %dma_wait3A_343] : memref<204800x128xf32, #tpu.memory_space<hbm>> -> memref<128x128xf32, #tpu.memory_space<hbm>>
    %dma_wait3A_345 = arith.constant 0 : i32
    %dma_wait3A_346 = tpu.memref_slice %arg4[%mul3A_2, %dma_wait3A_345] : memref<204800x128xf32, #tpu.memory_space<hbm>> -> memref<128x128xf32, #tpu.memory_space<hbm>>
    %dma_wait3A_347 = arith.constant 0 : i32
    %dma_wait3A_348 = arith.constant 0 : i32
    %dma_wait3A_349 = tpu.memref_slice %arg6[%dma_wait3A_338, %dma_wait3A_347, %dma_wait3A_348] : memref<7x128x128xf32, #tpu.memory_space<vmem>> -> memref<1x128x128xf32, #tpu.memory_space<vmem>>
    %dma_wait3A_350 = tpu.memref_squeeze %dma_wait3A_349 : memref<1x128x128xf32, #tpu.memory_space<vmem>> -> memref<128x128xf32, #tpu.memory_space<vmem>>
    tpu.wait_dma2 semaphore(%arg20 : memref<!tpu.dma_semaphore, #tpu.memory_space<semaphore_mem>>) src(%dma_wait3A_350 : memref<128x128xf32, #tpu.memory_space<vmem>>) dst(%dma_wait3A_346 : memref<128x128xf32, #tpu.memory_space<hbm>>)
    %dma_wait3A_351 = arith.constant 0 : i32
    %dma_wait3A_352 = arith.constant 0 : i32
    %dma_wait3A_353 = arith.constant 0 : i32
    %dma_wait3A_354 = tpu.memref_slice %arg6[%dma_wait3A_351, %dma_wait3A_352, %dma_wait3A_353] : memref<7x128x128xf32, #tpu.memory_space<vmem>> -> memref<1x128x128xf32, #tpu.memory_space<vmem>>
    %dma_wait3A_355 = tpu.memref_squeeze %dma_wait3A_354 : memref<1x128x128xf32, #tpu.memory_space<vmem>> -> memref<128x128xf32, #tpu.memory_space<vmem>>
    %dma_wait3A_356 = arith.constant 0 : i32
    %dma_wait3A_357 = tpu.memref_slice %arg5[%dma_wait3A_356] : memref<6400xi32, #tpu.memory_space<vmem>> -> memref<128xi32, #tpu.memory_space<vmem>>
    %dma_wait3A_358 = arith.constant 0 : i32
    %dma_wait3A_359 = arith.constant 0 : i32
    %dma_wait3A_360 = tpu.memref_slice %arg2[%dma_wait3A_358, %dma_wait3A_359] : memref<100000x128xf32, #tpu.memory_space<hbm>> -> memref<100000x128xf32, #tpu.memory_space<hbm>>
    tpu.wait_indirect_dma semaphore(%arg7 : memref<!tpu.dma_semaphore, #tpu.memory_space<semaphore_mem>>) src(%dma_wait3A_360 : memref<100000x128xf32, #tpu.memory_space<hbm>>) dst(%dma_wait3A_355 : memref<128x128xf32, #tpu.memory_space<vmem>>)
    %add3A_361 = arith.constant 6272 : i32
    %add3A_362 = arith.addi %mul3A_2, %add3A_361 : i32
    %dma_start3A_363 = arith.constant 0 : i32
    %dma_start3A_364 = arith.constant 0 : i32
    %dma_start3A_365 = arith.constant 0 : i32
    %dma_start3A_366 = tpu.memref_slice %arg6[%dma_start3A_363, %dma_start3A_364, %dma_start3A_365] : memref<7x128x128xf32, #tpu.memory_space<vmem>> -> memref<1x128x128xf32, #tpu.memory_space<vmem>>
    %dma_start3A_367 = tpu.memref_squeeze %dma_start3A_366 : memref<1x128x128xf32, #tpu.memory_space<vmem>> -> memref<128x128xf32, #tpu.memory_space<vmem>>
    %dma_start3A_368 = arith.constant 0 : i32
    %dma_start3A_369 = tpu.memref_slice %arg4[%add3A_362, %dma_start3A_368] : memref<204800x128xf32, #tpu.memory_space<hbm>> -> memref<128x128xf32, #tpu.memory_space<hbm>>
    %dma_start3A_370 = arith.constant 0 : i32
    %dma_start3A_371 = tpu.memref_slice %arg4[%add3A_362, %dma_start3A_370] : memref<204800x128xf32, #tpu.memory_space<hbm>> -> memref<128x128xf32, #tpu.memory_space<hbm>>
    %dma_start3A_372 = arith.constant 0 : i32
    %dma_start3A_373 = arith.constant 0 : i32
    %dma_start3A_374 = tpu.memref_slice %arg6[%dma_start3A_363, %dma_start3A_372, %dma_start3A_373] : memref<7x128x128xf32, #tpu.memory_space<vmem>> -> memref<1x128x128xf32, #tpu.memory_space<vmem>>
    %dma_start3A_375 = tpu.memref_squeeze %dma_start3A_374 : memref<1x128x128xf32, #tpu.memory_space<vmem>> -> memref<128x128xf32, #tpu.memory_space<vmem>>
    tpu.enqueue_dma source(%dma_start3A_375 : memref<128x128xf32, #tpu.memory_space<vmem>>) target(%dma_start3A_371 : memref<128x128xf32, #tpu.memory_space<hbm>>) target_semaphore(%arg14 : memref<!tpu.dma_semaphore, #tpu.memory_space<semaphore_mem>>)
    %dma_wait3A_376 = arith.constant 0 : i32
    %dma_wait3A_377 = arith.constant 0 : i32
    %dma_wait3A_378 = arith.constant 0 : i32
    %dma_wait3A_379 = tpu.memref_slice %arg6[%dma_wait3A_376, %dma_wait3A_377, %dma_wait3A_378] : memref<7x128x128xf32, #tpu.memory_space<vmem>> -> memref<1x128x128xf32, #tpu.memory_space<vmem>>
    %dma_wait3A_380 = tpu.memref_squeeze %dma_wait3A_379 : memref<1x128x128xf32, #tpu.memory_space<vmem>> -> memref<128x128xf32, #tpu.memory_space<vmem>>
    %dma_wait3A_381 = arith.constant 0 : i32
    %dma_wait3A_382 = tpu.memref_slice %arg4[%mul3A_2, %dma_wait3A_381] : memref<204800x128xf32, #tpu.memory_space<hbm>> -> memref<128x128xf32, #tpu.memory_space<hbm>>
    %dma_wait3A_383 = arith.constant 0 : i32
    %dma_wait3A_384 = tpu.memref_slice %arg4[%mul3A_2, %dma_wait3A_383] : memref<204800x128xf32, #tpu.memory_space<hbm>> -> memref<128x128xf32, #tpu.memory_space<hbm>>
    %dma_wait3A_385 = arith.constant 0 : i32
    %dma_wait3A_386 = arith.constant 0 : i32
    %dma_wait3A_387 = tpu.memref_slice %arg6[%dma_wait3A_376, %dma_wait3A_385, %dma_wait3A_386] : memref<7x128x128xf32, #tpu.memory_space<vmem>> -> memref<1x128x128xf32, #tpu.memory_space<vmem>>
    %dma_wait3A_388 = tpu.memref_squeeze %dma_wait3A_387 : memref<1x128x128xf32, #tpu.memory_space<vmem>> -> memref<128x128xf32, #tpu.memory_space<vmem>>
    tpu.wait_dma2 semaphore(%arg14 : memref<!tpu.dma_semaphore, #tpu.memory_space<semaphore_mem>>) src(%dma_wait3A_388 : memref<128x128xf32, #tpu.memory_space<vmem>>) dst(%dma_wait3A_384 : memref<128x128xf32, #tpu.memory_space<hbm>>)
    return
  }
}

</mosaic_0001>

<sc_bundles>
// kernel: kernel.3.cloned.1.call-start
scs
__scs_entry_jumppad:
0x0: {  	(pc) =	sbr.rel $0x88, $3  }
0x1: {  	(tag) =	ssettag $0x0;
	lr =	simm.s32 $0x1  }
0x2: {  	[smem:$0x3F9F] =	sst lr;
	_ =	strace $0xD0000000  }
0x3: {  	_ = 	snop  }
0x4: {  	_ = 	snop  }
0x5: {  	_ = 	snop  }
0x6: {  	_ = 	snop  }
0x7: {  	_ = 	snop  }
__scs_overlays_trampoline_lowered:
0x8: {  	[smem:$0x3FAE] =	sst s0  }
0x9: {  	[smem:$0x3FAF] =	sst s1  }
0xa: {  	[smem:$0x3FB0] =	sst s2  }
0xb: {  	[smem:$0x3FB1] =	sst s3  }
0xc: {  	[smem:$0x3FB2] =	sst s4  }
0xd: {  	[smem:$0x3FB3] =	sst s5  }
0xe: {  	[smem:$0x3FB4] =	sst s6  }
0xf: {  	[smem:$0x3FB5] =	sst s7  }
0x10: {  	[smem:$0x3FB6] =	sst s8  }
0x11: {  	[smem:$0x3FB7] =	sst s9;
	s0 =	simm.s32 @!p0 $0x0  }
0x12: {  	s1 =	sld [smem:$0x3F9D];
	s0 =	simm.s32 @p0 $0x1  }
0x13: {  	[smem:$0x3FB8] =	sst s0;
	s0 =	simm.s32 @!p1 $0x0  }
0x14: {  	s2 =	sld [smem:$0x3F9C];
	s0 =	simm.s32 @p1 $0x1  }
0x15: {  	[smem:$0x3FB9] =	sst s0;
	s0 =	simm.s32 @!p2 $0x0  }
0x16: {  	s3 =	sld [smem:$0x3FDB];
	s0 =	simm.s32 @p2 $0x1  }
0x17: {  	s4 =	simm.s32 $0x1BF5;
	[smem:$0x3FBB] =	sst s0  }
0x18: {  	s0 =	sld [smem:$0x3F9E];
	_ =	swait.ge [sflag:s4], $0x0  }
0x19: {  	s7 =	sld [smem:$0x3F9F]  }
0x1a: {  	s8 =	sadd.s32 $0xFFFFE003, lr  }
0x1b: {  	s9 =	sadd.s32 $0xFFFFFEF7, lr;
	s5 =	simm.s32 $0xFFFFFFFF;
	p2 =	slt.u32 s8, $0xFFFFF086  }
0x1c: {  	p1 =	slt.u32 s9, $0xF7A;
	s5 =	simm.s32 @!p2 $0x0  }
0x1d: {  	s5 =	simm.s32 @p1 $0x1;
	p0 =	seq.s32 s7, s2  }
0x1e: {  	s7 =	smul.u32 @!p0 $0xF7A, s2;
	p2 =	seq.s32 @!p0 s5, $0x0  }
0x1f: {  	s9 =	smul.u32 $0xF7A, s1;
	s8 =	simm.s32 @!p0 $0x1BF5;
	p2 =	por !p2, p0  }
0x20: {  	[sflag:s8] =	ssyncset.s32 @!p0 $0xFFFFF086;
	s6 =	sadd.s32 @!p0 s3, s7;
	s7 =	simm.s32 @!p0 $0x108  }
0x21: {  	s3 =	sadd.s32 s3, s9;
	s6 =	sadd.s32 @!p0 $0x88, s6;
	s7 =	simm.s32 @p2 $0x1082  }
0x22: {  	[simem:s7], [sflag:s8] =	dma.local @!p0 [hbm:s6], $0xF7A  }
0x23: {  	s9 =	sor.u32 $0xD0000000, s2;
	s6 =	simm.s32 $0x108;
	_ =	swait.ge @!p0 [sflag:s8], $0x0  }
0x24: {  	s3 =	sadd.s32 $0x88, s3;
	s6 =	simm.s32 @!p1 $0x1082;
	[sflag:s4] =	ssyncset.s32 $0xFFFFF086  }
0x25: {  	[simem:s6], [sflag:s4] =	dma.local [hbm:s3], $0xF7A  }
0x26: {  	[smem:$0x3F9F] =	sst s1;
	(tag) =	ssettag s2;
	_ =	strace s9  }
0x27: {  	s1 =	sld [smem:$0x3FAF]  }
0x28: {  	s2 =	sld [smem:$0x3FB0]  }
0x29: {  	s4 =	sld [smem:$0x3FB2]  }
0x2a: {  	p0 =	seq.s32 s5, $0x0;
	s5 =	sld [smem:$0x3FB3]  }
0x2b: {  	s6 =	sld [smem:$0x3FB4]  }
0x2c: {  	s7 =	sld [smem:$0x3FB5]  }
0x2d: {  	s3 =	simm.s32 $0x108;
	s8 =	sld [smem:$0x3FB6]  }
0x2e: {  	s3 =	simm.s32 @!p0 $0x1082;
	s9 =	sld [smem:$0x3FB7]  }
0x2f: {  	lr =	sadd.s32 s0, s3;
	s0 =	sld [smem:$0x3FAE]  }
0x30: {  	s3 =	sld [smem:$0x3FB1]  }
0x31: {  	[smem:$0x3FBA] =	sst s10  }
0x32: {  	s10 =	sld [smem:$0x3FB8];
	_ =	sdelay $0x3  }
0x33: {  	p0 =	seq.s32 s10, $0x1;
	s10 =	sld [smem:$0x3FBA];
	_ =	sdelay $0x3  }
0x34: {  	[smem:$0x3FBA] =	sst s10  }
0x35: {  	s10 =	sld [smem:$0x3FB9];
	_ =	sdelay $0x3  }
0x36: {  	p1 =	seq.s32 s10, $0x1;
	s10 =	sld [smem:$0x3FBA];
	_ =	sdelay $0x3  }
0x37: {  	[smem:$0x3FBA] =	sst s10  }
0x38: {  	s10 =	sld [smem:$0x3FBB]  }
0x39: {  	_ = 	snop;
	(pc) =	sbr.ind lr, $3  }
0x3a: {  	_ = 	snop  }
0x3b: {  	_ = 	snop  }
0x3c: {  	p2 =	seq.s32 s10, $0x1;
	s10 =	sld [smem:$0x3FBA]  }
0x3d: {  	_ =	shalt  }
0x3e: {  	_ =	shalt  }
0x3f: {  	_ =	shalt  }
0x40: {  	_ =	shalt  }
0x41: {  	_ =	shalt  }
0x42: {  	_ =	shalt  }
0x43: {  	_ =	shalt  }
0x44: {  	_ =	shalt  }
0x45: {  	_ =	shalt  }
0x46: {  	_ =	shalt  }
0x47: {  	_ =	shalt  }
0x48: {  	_ =	shalt  }
0x49: {  	_ =	shalt  }
0x4a: {  	_ =	shalt  }
0x4b: {  	_ =	shalt  }
0x4c: {  	_ =	shalt  }
0x4d: {  	_ =	shalt  }
0x4e: {  	_ =	shalt  }
0x4f: {  	_ =	shalt  }
0x50: {  	_ =	shalt  }
0x51: {  	_ =	shalt  }
0x52: {  	_ =	shalt  }
0x53: {  	_ =	shalt  }
0x54: {  	_ =	shalt  }
0x55: {  	_ =	shalt  }
0x56: {  	_ =	shalt  }
0x57: {  	_ =	shalt  }
0x58: {  	_ =	shalt  }
0x59: {  	_ =	shalt  }
0x5a: {  	_ =	shalt  }
0x5b: {  	_ =	shalt  }
0x5c: {  	_ =	shalt  }
0x5d: {  	_ =	shalt  }
0x5e: {  	_ =	shalt  }
0x5f: {  	_ =	shalt  }
0x60: {  	_ =	shalt  }
0x61: {  	_ =	shalt  }
0x62: {  	_ =	shalt  }
0x63: {  	_ =	shalt  }
0x64: {  	_ =	shalt  }
0x65: {  	_ =	shalt  }
0x66: {  	_ =	shalt  }
0x67: {  	_ =	shalt  }
0x68: {  	_ =	shalt  }
0x69: {  	_ =	shalt  }
0x6a: {  	_ =	shalt  }
0x6b: {  	_ =	shalt  }
0x6c: {  	_ =	shalt  }
0x6d: {  	_ =	shalt  }
0x6e: {  	_ =	shalt  }
0x6f: {  	_ =	shalt  }
0x70: {  	_ =	shalt  }
0x71: {  	_ =	shalt  }
0x72: {  	_ =	shalt  }
0x73: {  	_ =	shalt  }
0x74: {  	_ =	shalt  }
0x75: {  	_ =	shalt  }
0x76: {  	_ =	shalt  }
0x77: {  	_ =	shalt  }
0x78: {  	_ =	shalt  }
0x79: {  	_ =	shalt  }
0x7a: {  	_ =	shalt  }
0x7b: {  	_ =	shalt  }
0x7c: {  	_ =	shalt  }
0x7d: {  	_ =	shalt  }
0x7e: {  	_ =	shalt  }
0x7f: {  	_ =	shalt  }
0x80: {  	_ =	shalt  }
0x81: {  	_ =	shalt  }
0x82: {  	_ =	shalt  }
0x83: {  	_ =	shalt  }
0x84: {  	_ =	shalt  }
0x85: {  	_ =	shalt  }
0x86: {  	_ =	shalt  }
0x87: {  	_ =	shalt  }
.Lfunc_end0:
.L_simem_size_0:
called_computation_lowered:
.L_overlay_start_0:
0x88: {  	s2 =	sld [smem:$0x3FD9]  }
0x89: {  	s3 =	sld [smem:$0x3FFE];
	_ =	sdelay $0x1  }
0x8a: {  	s1 =	srdreg.scid  }
0x8b: {  	s0 =	sand.u32 $0x1, s1  }
0x8c: {  	s17 =	sshll.u32 s0, $0xA;
	s2 =	sadd.s32 s3, s2  }
0x8d: {  	s2 =	sadd.s32 s2, s17  }
0x8e: {  	[smem:$0x3FC6] =	sst s2  }
0x8f: {  	_ = 	snop  }
0x90: {  	s2 =	sld [smem:$0x3FC8]  }
0x91: {  	s18 =	sld [smem:$0x3FD0];
	(tm) =	ssettm $0x1  }
0x92: {  	s4 =	sld [smem:$0x3FFB];
	_ =	sdelay $0x3  }
0x93: {  	_ =	strace s4  }
0x94: {  	s4 =	sld [smem:$0x3FFC];
	_ =	sdelay $0x3  }
0x95: {  	_ =	strace s4  }
0x96: {  	s4 =	sld [smem:$0x3FFD];
	_ =	sdelay $0x3  }
0x97: {  	_ =	strace s4  }
0x98: {  	_ =	strace $0x8FFFFFFF  }
0x99: {  	s19 =	sld [smem:$0x3FDB];
	_ =	sdelay $0x1  }
0x9a: {  	s5 =	simm.s32 $_scs_section_size  }
0x9b: {  	s6 =	simm.s32 $_size__tile_overlayer_lowered;
	s7 =	simm.s32 $_tile_overlayer_lowered  }
0x9c: {  	s22 =	simm.s32 $0x1BFF;
	s21 =	sshll.u32 s7, $0x1;
	s4 =	sadd.s32 s5, s19  }
0x9d: {  	s8 =	simm.s32 $0x0;
	s20 =	sshll.u32 s6, $0x1;
	s6 =	sadd.s32 s21, s4  }
0x9e: {  	[timem:s8], [sflag:s22] =	dma.local [hbm:s6], s20  }
0x9f: {  	_ =	swait.ge [sflag:s22], s20  }
0xa0: {  	s5 =	ssub.s32 $0x0, s20;
	[sflag:s22] =	ssyncset.done $0x0  }
0xa1: {  	[sflag:s22] =	ssyncadd.s32 s5;
	_ =	sdelay $0x1  }
0xa2: {  	s23 =	simm.s32 $0x1B8B  }
0xa3: {  	_ =	swait.ge [sflag:s23], $0x1  }
0xa4: {  	[sflag:s23] =	ssyncset.done $0x0  }
0xa5: {  	s25 =	simm.s32 $0x1B8E;
	s24 =	sld [smem:$0x3FFE];
	[sflag:s23] =	ssyncadd.s32 $0xFFFFFFFF  }
0xa6: {  	s26 =	simm.s32 $execute0_lowered;
	[smem:$0x3FD2] =	sst s25  }
0xa7: {  	s6 =	sshll.u32 s26, $0x1;
	_ =	strace $0x80000046;
	[dreg:$0x1] =	wrdreg $0xFFFFFFFF  }
0xa8: {  	s28 =	simm.s32 $_size_execute0_lowered;
	s4 =	sadd.s32 s4, s6;
	[dreg:$0x0] =	wrdreg $0x0  }
0xa9: {  	s6 =	sshll.u32 s28, $0x1;
	[dreg:$0x2] =	wrdreg s4  }
0xaa: {  	[dreg:$0x3] =	wrdreg s6  }
0xab: {  	[dreg:$0x4] =	wrdreg $0xC0  }
0xac: {  	_ =	task [dreg:s8], $0x5FFFF  }
0xad: {  	[dreg:$0x1] =	wrdreg $0xFFFFFFFF  }
0xae: {  	[dreg:$0x0] =	wrdreg $0x60  }
0xaf: {  	[dreg:$0x2] =	wrdreg s2  }
0xb0: {  	[dreg:$0x3] =	wrdreg s24  }
0xb1: {  	[dreg:$0x4] =	wrdreg s18  }
0xb2: {  	[dreg:$0x5] =	wrdreg $0x9  }
0xb3: {  	_ =	task.clear_ibuf [dreg:s8], $0x6FFFF;
	_ =	strace $0x90000046  }
0xb4: {  	s29 =	simm.s32 $0x9;
	_ =	strace $0x80000048  }
0xb5: {  	_ =	swait.ge [sflag:s29], $0x1  }
0xb6: {  	[sflag:s29] =	ssyncadd.s32 $0xFFFFFFFF  }
0xb7: {  	_ =	strace $0x90000048  }
0xb8: {  	_ =	sfence  }
0xb9: {  	s30 =	sld [smem:$0x0];
	_ =	sdelay $0x2  }
0xba: {  	s31 =	sshll.u32 s1, $0xD;
	s1 =	sshrl.u32 s1, $0x2  }
0xbb: {  	s3 =	sand.u32 $0x4000, s31;
	s1 =	sadd.s32 s1, s30  }
0xbc: {  	s0 =	sor.u32 s3, s0;
	s1 =	sshll.u32 s1, $0x11  }
0xbd: {  	s0 =	sor.u32 s1, s0  }
0xbe: {  	s0 =	sadd.s32 $0x8F2B, s0  }
0xbf: {  	[sflag:s0] =	ssyncadd.remote.s32 $0x1  }
0xc0: {  	_ =	sfence.sel $0xFFFF  }
0xc1: {  	[dreg:$0x0] =	wrdreg $0xFFFFFFFF;
	(pc) =	sbr.abs _section_cstart, $3  }
0xc2: {  	[dreg:$0x1] =	wrdreg $0xFFFFFFFF  }
0xc3: {  	_ =	task.clear_ibuf [dreg:s8], $0x2FFFF;
	_ =	strace $0x9FFFFFFF  }
0xc4: {  	(tm) =	ssettm $0x7FFFFFFF  }
0xc5: {  	_ =	shalt  }
tec
execute0_lowered:
.L_overlay_start_1:
0x0: {  	(tag) =	ssettag $0x1  }
0x1: {  	s1 =	rddreg [dreg:$0x0]  }
0x2: {  	s0 =	rddreg [dreg:$0x1]  }
0x3: {  	s2 =	srdreg.scid;
	s9 =	stileid.u32  }
0x4: {  	s4 =	rddreg [dreg:$0x2];
	s3 =	simm.s32 $0x0;
	s15 =	simm.s32 $0xF  }
0x5: {  	s16 =	simm.s32 $0x80;
	s2 =	sand.u32 $0x1, s2;
	s5 =	sshll.u32 s9, $0x1  }
0x6: {  	s29 =	simm.s32 $0x19900;
	s19 =	smul.u32 $0x32000, s9;
	s5 =	sor.u32 s2, s5  }
0x7: {  	s30 =	simm.s32 $0x1;
	s31 =	simm.s32 $0x8;
	s6 =	smul.u32 $0x1900, s5  }
0x8: {  	s28 =	simm.s32 $0x5;
	[smem:$0x7FF] =	sst s3;
	s8 =	smul.u32 $0xC8000, s5  }
0x9: {  	s9 =	simm.s32 $0x0;
	s7 =	ssub.s32 $0x2, s2;
	s5 =	smul.u32 $0x19000, s5  }
0xa: {  	_ =	strace $0x80000047;
	s2 =	smul.u32 $0x19000, s2;
	s17 =	sshrl.u32 s7, $0x1  }
0xb: {  	s6 =	sshrl.u32 s6, $0x3;
	s18 =	sshrl.u32 s8, $0x3;
	s5 =	sadd.s32 s4, s5  }
0xc: {  	s8 =	simm.s32 $0xE;
	s0 =	sadd.s32 s6, s0;
	s6 =	ssub.s32 s7, s17  }
0xd: {  	[dreg:$0x5] =	wrdreg s5;
	s17 =	simm.s32 $0x1900;
	s0 =	sadd.s32 $0x400, s0  }
0xe: {  	s26 =	smax.u32 s6, $0x1;
	[dreg:$0x4] =	wrdreg s0;
	s0 =	sadd.s32 s4, s18  }
0xf: {  	s5 =	simm.s32 $0x6;
	[dreg:$0xd] =	wrdreg s26;
	s20 =	sadd.s32 $0x15800, s0  }
0x10: {  	s7 =	simm.s32 $0x7;
	s21 =	sadd.s32 $0x16000, s0;
	[dreg:$0x6] =	wrdreg s20  }
0x11: {  	s6 =	simm.s32 $0xD;
	s22 =	sadd.s32 $0x16800, s0;
	[dreg:$0x7] =	wrdreg s21  }
0x12: {  	s4 =	sadd.s32 s19, s4;
	s23 =	sadd.s32 $0x17000, s0;
	[dreg:$0x8] =	wrdreg s22  }
0x13: {  	s18 =	simm.s32 $0x5900;
	s24 =	sadd.s32 $0x17800, s0;
	[dreg:$0x9] =	wrdreg s23  }
0x14: {  	s26 =	simm.s32 $0x15900;
	s25 =	sadd.s32 $0x18000, s0;
	[dreg:$0xa] =	wrdreg s24  }
0x15: {  	s19 =	simm.s32 $0x3;
	s0 =	sadd.s32 $0x18800, s0;
	[dreg:$0xb] =	wrdreg s25  }
0x16: {  	s2 =	sadd.s32 s2, s4;
	s4 =	simm.s32 $0xC;
	[dreg:$0xc] =	wrdreg s0  }
0x17: {  	s14 =	sadd.s32 $0x2000, s2;
	s20 =	simm.s32 $0x9900;
	s22 =	simm.s32 $0xD900  }
0x18: {  	s24 =	simm.s32 $0x11900;
	s2 =	simm.s32 $0x2;
	s0 =	simm.s32 $0x9  }
0x19: {  	s21 =	simm.s32 $0xA;
	s23 =	simm.s32 $0x4;
	s25 =	simm.s32 $0xB  }
.LBB2_1:
0x1a: {  	s10 =	rddreg [dreg:$0x4]  }
0x1b: {  	[tilespmem:s3], [sflag:$0xF] =	stream.linear.gather [hbm4b:s10+s3], $0x1900, $0x38;
	[tilespmem:$0x1D900] =	vst v63  }
0x1c: {  	_ =	swait.ge [sflag:s15], $0x1900  }
0x1d: {  	[sflag:s15] =	ssyncset.done $0x0  }
0x1e: {  	[sflag:s15] =	ssyncadd.s32 $0xFFFFE700  }
0x1f: {  	[tilespmem:s17], [sflag:$0x1] =	stream.indirect.gather [hbm4b:s1+s16], $0x80, s3, s16, $0xb8;
	[tilespmem:$0x1D900] =	vst v63  }
0x20: {  	_ = 	snop  }
0x21: {  	[tilespmem:s18], [sflag:$0x2] =	stream.indirect.gather [hbm4b:s1+s16], $0x80, s16, s16, $0xb8;
	[tilespmem:$0x1D900] =	vst v63  }
0x22: {  	s11 =	simm.s32 $0x100  }
0x23: {  	[tilespmem:s20], [sflag:$0x3] =	stream.indirect.gather [hbm4b:s1+s16], $0x80, s11, s16, $0xb8;
	[tilespmem:$0x1D900] =	vst v63  }
0x24: {  	s12 =	simm.s32 $0x180  }
0x25: {  	[tilespmem:s22], [sflag:$0x4] =	stream.indirect.gather [hbm4b:s1+s16], $0x80, s12, s16, $0xb8;
	[tilespmem:$0x1D900] =	vst v63  }
0x26: {  	s13 =	simm.s32 $0x200  }
0x27: {  	[tilespmem:s24], [sflag:$0x5] =	stream.indirect.gather [hbm4b:s1+s16], $0x80, s13, s16, $0xb8;
	[tilespmem:$0x1D900] =	vst v63  }
0x28: {  	s11 =	simm.s32 $0x280  }
0x29: {  	[tilespmem:s26], [sflag:$0x6] =	stream.indirect.gather [hbm4b:s1+s16], $0x80, s11, s16, $0xb8;
	[tilespmem:$0x1D900] =	vst v63  }
0x2a: {  	s12 =	simm.s32 $0x300  }
0x2b: {  	[tilespmem:s29], [sflag:$0x7] =	stream.indirect.gather [hbm4b:s1+s16], $0x80, s12, s16, $0xb8;
	[tilespmem:$0x1D900] =	vst v63  }
0x2c: {  	_ =	swait.ge [sflag:s30], $0x4000  }
0x2d: {  	[sflag:s30] =	ssyncset.done $0x0  }
0x2e: {  	s13 =	rddreg [dreg:$0x5];
	[sflag:s30] =	ssyncadd.s32 $0xFFFFC000  }
0x2f: {  	[hbm4b:s13+s3] =	stream.linear.scatter [tilespmem:s17], [sflag:$0x8], $0x4000, $0x38;
	[tilespmem:$0x1D900] =	vst v63  }
0x30: {  	_ =	swait.ge [sflag:s31], $0x4000  }
0x31: {  	[sflag:s31] =	ssyncset.done $0x0  }
0x32: {  	s11 =	simm.s32 $0x380;
	[sflag:s31] =	ssyncadd.s32 $0xFFFFC000  }
0x33: {  	[tilespmem:s17], [sflag:$0x1] =	stream.indirect.gather [hbm4b:s1+s16], $0x80, s11, s16, $0xb8;
	[tilespmem:$0x1D900] =	vst v63  }
0x34: {  	_ =	swait.ge [sflag:s2], $0x4000  }
0x35: {  	[sflag:s2] =	ssyncset.done $0x0  }
0x36: {  	s12 =	sadd.s32 $0xFFFFE800, s14;
	[sflag:s2] =	ssyncadd.s32 $0xFFFFC000  }
0x37: {  	[hbm4b:s12+s3] =	stream.linear.scatter [tilespmem:s18], [sflag:$0x9], $0x4000, $0x38;
	[tilespmem:$0x1D900] =	vst v63  }
0x38: {  	_ =	swait.ge [sflag:s0], $0x4000  }
0x39: {  	[sflag:s0] =	ssyncset.done $0x0  }
0x3a: {  	s13 =	simm.s32 $0x400;
	[sflag:s0] =	ssyncadd.s32 $0xFFFFC000  }
0x3b: {  	[tilespmem:s18], [sflag:$0x2] =	stream.indirect.gather [hbm4b:s1+s16], $0x80, s13, s16, $0xb8;
	[tilespmem:$0x1D900] =	vst v63  }
0x3c: {  	_ =	swait.ge [sflag:s19], $0x4000  }
0x3d: {  	[sflag:s19] =	ssyncset.done $0x0  }
0x3e: {  	s11 =	sadd.s32 $0xFFFFF000, s14;
	[sflag:s19] =	ssyncadd.s32 $0xFFFFC000  }
0x3f: {  	[hbm4b:s11+s3] =	stream.linear.scatter [tilespmem:s20], [sflag:$0xA], $0x4000, $0x38;
	[tilespmem:$0x1D900] =	vst v63  }
0x40: {  	_ =	swait.ge [sflag:s21], $0x4000  }
0x41: {  	[sflag:s21] =	ssyncset.done $0x0  }
0x42: {  	s12 =	simm.s32 $0x480;
	[sflag:s21] =	ssyncadd.s32 $0xFFFFC000  }
0x43: {  	[tilespmem:s20], [sflag:$0x3] =	stream.indirect.gather [hbm4b:s1+s16], $0x80, s12, s16, $0xb8;
	[tilespmem:$0x1D900] =	vst v63  }
0x44: {  	_ =	swait.ge [sflag:s23], $0x4000  }
0x45: {  	[sflag:s23] =	ssyncset.done $0x0  }
0x46: {  	s13 =	sadd.s32 $0xFFFFF800, s14;
	[sflag:s23] =	ssyncadd.s32 $0xFFFFC000  }
0x47: {  	[hbm4b:s13+s3] =	stream.linear.scatter [tilespmem:s22], [sflag:$0xB], $0x4000, $0x38;
	[tilespmem:$0x1D900] =	vst v63  }
0x48: {  	_ =	swait.ge [sflag:s25], $0x4000  }
0x49: {  	[sflag:s25] =	ssyncset.done $0x0  }
0x4a: {  	s11 =	simm.s32 $0x500;
	[sflag:s25] =	ssyncadd.s32 $0xFFFFC000  }
0x4b: {  	[tilespmem:s22], [sflag:$0x4] =	stream.indirect.gather [hbm4b:s1+s16], $0x80, s11, s16, $0xb8;
	[tilespmem:$0x1D900] =	vst v63  }
0x4c: {  	_ =	swait.ge [sflag:s28], $0x4000  }
0x4d: {  	[sflag:s28] =	ssyncset.done $0x0  }
0x4e: {  	[sflag:s28] =	ssyncadd.s32 $0xFFFFC000  }
0x4f: {  	[hbm4b:s14+s3] =	stream.linear.scatter [tilespmem:s24], [sflag:$0xC], $0x4000, $0x38;
	[tilespmem:$0x1D900] =	vst v63  }
0x50: {  	_ =	swait.ge [sflag:s4], $0x4000  }
0x51: {  	[sflag:s4] =	ssyncset.done $0x0  }
0x52: {  	s12 =	simm.s32 $0x580;
	[sflag:s4] =	ssyncadd.s32 $0xFFFFC000  }
0x53: {  	[tilespmem:s24], [sflag:$0x5] =	stream.indirect.gather [hbm4b:s1+s16], $0x80, s12, s16, $0xb8;
	[tilespmem:$0x1D900] =	vst v63  }
0x54: {  	_ =	swait.ge [sflag:s5], $0x4000  }
0x55: {  	[sflag:s5] =	ssyncset.done $0x0  }
0x56: {  	s13 =	sadd.s32 $0x800, s14;
	[sflag:s5] =	ssyncadd.s32 $0xFFFFC000  }
0x57: {  	[hbm4b:s13+s3] =	stream.linear.scatter [tilespmem:s26], [sflag:$0xD], $0x4000, $0x38;
	[tilespmem:$0x1D900] =	vst v63  }
0x58: {  	_ =	swait.ge [sflag:s6], $0x4000  }
0x59: {  	[sflag:s6] =	ssyncset.done $0x0  }
0x5a: {  	s11 =	simm.s32 $0x600;
	[sflag:s6] =	ssyncadd.s32 $0xFFFFC000  }
0x5b: {  	[tilespmem:s26], [sflag:$0x6] =	stream.indirect.gather [hbm4b:s1+s16], $0x80, s11, s16, $0xb8;
	[tilespmem:$0x1D900] =	vst v63  }
0x5c: {  	_ =	swait.ge [sflag:s7], $0x4000  }
0x5d: {  	[sflag:s7] =	ssyncset.done $0x0  }
0x5e: {  	s12 =	sadd.s32 $0x1000, s14;
	[sflag:s7] =	ssyncadd.s32 $0xFFFFC000  }
0x5f: {  	[hbm4b:s12+s3] =	stream.linear.scatter [tilespmem:s29], [sflag:$0xE], $0x4000, $0x38;
	[tilespmem:$0x1D900] =	vst v63  }
0x60: {  	_ =	swait.ge [sflag:s8], $0x4000  }
0x61: {  	[sflag:s8] =	ssyncset.done $0x0  }
0x62: {  	s13 =	simm.s32 $0x680;
	[sflag:s8] =	ssyncadd.s32 $0xFFFFC000  }
0x63: {  	[tilespmem:s29], [sflag:$0x7] =	stream.indirect.gather [hbm4b:s1+s16], $0x80, s13, s16, $0xb8;
	[tilespmem:$0x1D900] =	vst v63  }
0x64: {  	_ =	swait.ge [sflag:s30], $0x4000  }
0x65: {  	s10 =	simm.s32 $0xE00;
	[sflag:s30] =	ssyncset.done $0x0  }
0x66: {  	s11 =	sadd.s32 $0x3800, s14;
	s12 =	sadd.s32 $0x1800, s14;
	[sflag:s30] =	ssyncadd.s32 $0xFFFFC000  }
.LBB2_2:
0x67: {  	[hbm4b:s12+s3] =	stream.linear.scatter [tilespmem:s17], [sflag:$0x8], $0x4000, $0x38;
	[tilespmem:$0x1D900] =	vst v63  }
0x68: {  	s12 =	smov.u32 s10  }
0x69: {  	p0 =	sne.s32 s10, $0x4600;
	s10 =	sadd.s32 $0xE00, s10;
	_ =	swait.ge [sflag:s31], $0x4000  }
0x6a: {  	s12 =	sshra.s32 s12, $0x2;
	[sflag:s31] =	ssyncset.done $0x0  }
0x6b: {  	s13 =	sadd.s32 $0x380, s12;
	[sflag:s31] =	ssyncadd.s32 $0xFFFFC000  }
0x6c: {  	[tilespmem:s17], [sflag:$0x1] =	stream.indirect.gather [hbm4b:s1+s16], $0x80, s13, s16, $0xb8;
	[tilespmem:$0x1D900] =	vst v63  }
0x6d: {  	_ =	swait.ge [sflag:s2], $0x4000  }
0x6e: {  	[sflag:s2] =	ssyncset.done $0x0  }
0x6f: {  	s13 =	sadd.s32 $0xFFFFE800, s11;
	[sflag:s2] =	ssyncadd.s32 $0xFFFFC000  }
0x70: {  	[hbm4b:s13+s3] =	stream.linear.scatter [tilespmem:s18], [sflag:$0x9], $0x4000, $0x38;
	[tilespmem:$0x1D900] =	vst v63  }
0x71: {  	_ =	swait.ge [sflag:s0], $0x4000  }
0x72: {  	[sflag:s0] =	ssyncset.done $0x0  }
0x73: {  	s13 =	sadd.s32 $0x400, s12;
	[sflag:s0] =	ssyncadd.s32 $0xFFFFC000  }
0x74: {  	[tilespmem:s18], [sflag:$0x2] =	stream.indirect.gather [hbm4b:s1+s16], $0x80, s13, s16, $0xb8;
	[tilespmem:$0x1D900] =	vst v63  }
0x75: {  	_ =	swait.ge [sflag:s19], $0x4000  }
0x76: {  	[sflag:s19] =	ssyncset.done $0x0  }
0x77: {  	s13 =	sadd.s32 $0xFFFFF000, s11;
	[sflag:s19] =	ssyncadd.s32 $0xFFFFC000  }
0x78: {  	[hbm4b:s13+s3] =	stream.linear.scatter [tilespmem:s20], [sflag:$0xA], $0x4000, $0x38;
	[tilespmem:$0x1D900] =	vst v63  }
0x79: {  	_ =	swait.ge [sflag:s21], $0x4000  }
0x7a: {  	[sflag:s21] =	ssyncset.done $0x0  }
0x7b: {  	s13 =	sadd.s32 $0x480, s12;
	[sflag:s21] =	ssyncadd.s32 $0xFFFFC000  }
0x7c: {  	[tilespmem:s20], [sflag:$0x3] =	stream.indirect.gather [hbm4b:s1+s16], $0x80, s13, s16, $0xb8;
	[tilespmem:$0x1D900] =	vst v63  }
0x7d: {  	_ =	swait.ge [sflag:s23], $0x4000  }
0x7e: {  	[sflag:s23] =	ssyncset.done $0x0  }
0x7f: {  	s13 =	sadd.s32 $0xFFFFF800, s11;
	[sflag:s23] =	ssyncadd.s32 $0xFFFFC000  }
0x80: {  	[hbm4b:s13+s3] =	stream.linear.scatter [tilespmem:s22], [sflag:$0xB], $0x4000, $0x38;
	[tilespmem:$0x1D900] =	vst v63  }
0x81: {  	_ =	swait.ge [sflag:s25], $0x4000  }
0x82: {  	[sflag:s25] =	ssyncset.done $0x0  }
0x83: {  	s13 =	sadd.s32 $0x500, s12;
	[sflag:s25] =	ssyncadd.s32 $0xFFFFC000  }
0x84: {  	[tilespmem:s22], [sflag:$0x4] =	stream.indirect.gather [hbm4b:s1+s16], $0x80, s13, s16, $0xb8;
	[tilespmem:$0x1D900] =	vst v63  }
0x85: {  	_ =	swait.ge [sflag:s28], $0x4000  }
0x86: {  	[sflag:s28] =	ssyncset.done $0x0  }
0x87: {  	[sflag:s28] =	ssyncadd.s32 $0xFFFFC000  }
0x88: {  	[hbm4b:s11+s3] =	stream.linear.scatter [tilespmem:s24], [sflag:$0xC], $0x4000, $0x38;
	[tilespmem:$0x1D900] =	vst v63  }
0x89: {  	_ =	swait.ge [sflag:s4], $0x4000  }
0x8a: {  	[sflag:s4] =	ssyncset.done $0x0  }
0x8b: {  	s13 =	sadd.s32 $0x580, s12;
	[sflag:s4] =	ssyncadd.s32 $0xFFFFC000  }
0x8c: {  	[tilespmem:s24], [sflag:$0x5] =	stream.indirect.gather [hbm4b:s1+s16], $0x80, s13, s16, $0xb8;
	[tilespmem:$0x1D900] =	vst v63  }
0x8d: {  	_ =	swait.ge [sflag:s5], $0x4000  }
0x8e: {  	[sflag:s5] =	ssyncset.done $0x0  }
0x8f: {  	s13 =	sadd.s32 $0x800, s11;
	[sflag:s5] =	ssyncadd.s32 $0xFFFFC000  }
0x90: {  	[hbm4b:s13+s3] =	stream.linear.scatter [tilespmem:s26], [sflag:$0xD], $0x4000, $0x38;
	[tilespmem:$0x1D900] =	vst v63  }
0x91: {  	_ =	swait.ge [sflag:s6], $0x4000  }
0x92: {  	[sflag:s6] =	ssyncset.done $0x0  }
0x93: {  	s13 =	sadd.s32 $0x600, s12;
	[sflag:s6] =	ssyncadd.s32 $0xFFFFC000  }
0x94: {  	[tilespmem:s26], [sflag:$0x6] =	stream.indirect.gather [hbm4b:s1+s16], $0x80, s13, s16, $0xb8;
	[tilespmem:$0x1D900] =	vst v63  }
0x95: {  	_ =	swait.ge [sflag:s7], $0x4000  }
0x96: {  	[sflag:s7] =	ssyncset.done $0x0  }
0x97: {  	s13 =	sadd.s32 $0x1000, s11;
	[sflag:s7] =	ssyncadd.s32 $0xFFFFC000  }
0x98: {  	[hbm4b:s13+s3] =	stream.linear.scatter [tilespmem:s29], [sflag:$0xE], $0x4000, $0x38;
	[tilespmem:$0x1D900] =	vst v63  }
0x99: {  	_ =	swait.ge [sflag:s8], $0x4000  }
0x9a: {  	[sflag:s8] =	ssyncset.done $0x0  }
.Ltmp0:
0x9b: {  	s12 =	sadd.s32 $0x680, s12;
	[sflag:s8] =	ssyncadd.s32 $0xFFFFC000;
	(pc) =	sbr.rel @p0 .LBB2_2-.Ltmp0, $4  }
0x9c: {  	[tilespmem:s29], [sflag:$0x7] =	stream.indirect.gather [hbm4b:s1+s16], $0x80, s12, s16, $0xb8;
	[tilespmem:$0x1D900] =	vst v63  }
0x9d: {  	_ =	swait.ge [sflag:s30], $0x4000  }
0x9e: {  	[sflag:s30] =	ssyncset.done $0x0  }
0x9f: {  	s12 =	sadd.s32 $0x1800, s11;
	s11 =	sadd.s32 $0x3800, s11;
	[sflag:s30] =	ssyncadd.s32 $0xFFFFC000  }
0xa0: {  	[hbm4b:s12+s3] =	stream.linear.scatter [tilespmem:s17], [sflag:$0x8], $0x4000, $0x38;
	[tilespmem:$0x1D900] =	vst v63  }
0xa1: {  	_ =	swait.ge [sflag:s31], $0x4000  }
0xa2: {  	[sflag:s31] =	ssyncset.done $0x0  }
0xa3: {  	s10 =	simm.s32 $0x1880;
	[sflag:s31] =	ssyncadd.s32 $0xFFFFC000  }
0xa4: {  	[tilespmem:s17], [sflag:$0x1] =	stream.indirect.gather [hbm4b:s1+s16], $0x80, s10, s16, $0xb8;
	[tilespmem:$0x1D900] =	vst v63  }
0xa5: {  	_ =	swait.ge [sflag:s2], $0x4000  }
0xa6: {  	[sflag:s2] =	ssyncset.done $0x0  }
0xa7: {  	s12 =	rddreg [dreg:$0x6];
	[sflag:s2] =	ssyncadd.s32 $0xFFFFC000  }
0xa8: {  	[hbm4b:s12+s3] =	stream.linear.scatter [tilespmem:s18], [sflag:$0x9], $0x4000, $0x38;
	[tilespmem:$0x1D900] =	vst v63  }
0xa9: {  	_ =	swait.ge [sflag:s0], $0x4000  }
0xaa: {  	[sflag:s0] =	ssyncset.done $0x0  }
0xab: {  	[sflag:s0] =	ssyncadd.s32 $0xFFFFC000  }
0xac: {  	_ =	swait.ge [sflag:s19], $0x4000  }
0xad: {  	[sflag:s19] =	ssyncset.done $0x0  }
0xae: {  	s13 =	rddreg [dreg:$0x7];
	[sflag:s19] =	ssyncadd.s32 $0xFFFFC000  }
0xaf: {  	[hbm4b:s13+s3] =	stream.linear.scatter [tilespmem:s20], [sflag:$0xA], $0x4000, $0x38;
	[tilespmem:$0x1D900] =	vst v63  }
0xb0: {  	_ =	swait.ge [sflag:s21], $0x4000  }
0xb1: {  	[sflag:s21] =	ssyncset.done $0x0  }
0xb2: {  	[sflag:s21] =	ssyncadd.s32 $0xFFFFC000  }
0xb3: {  	_ =	swait.ge [sflag:s23], $0x4000  }
0xb4: {  	[sflag:s23] =	ssyncset.done $0x0  }
0xb5: {  	s11 =	rddreg [dreg:$0x8];
	[sflag:s23] =	ssyncadd.s32 $0xFFFFC000  }
0xb6: {  	[hbm4b:s11+s3] =	stream.linear.scatter [tilespmem:s22], [sflag:$0xB], $0x4000, $0x38;
	[tilespmem:$0x1D900] =	vst v63  }
0xb7: {  	_ =	swait.ge [sflag:s25], $0x4000  }
0xb8: {  	[sflag:s25] =	ssyncset.done $0x0  }
0xb9: {  	[sflag:s25] =	ssyncadd.s32 $0xFFFFC000  }
0xba: {  	_ =	swait.ge [sflag:s28], $0x4000  }
0xbb: {  	[sflag:s28] =	ssyncset.done $0x0  }
0xbc: {  	s12 =	rddreg [dreg:$0x9];
	[sflag:s28] =	ssyncadd.s32 $0xFFFFC000  }
0xbd: {  	[hbm4b:s12+s3] =	stream.linear.scatter [tilespmem:s24], [sflag:$0xC], $0x4000, $0x38;
	[tilespmem:$0x1D900] =	vst v63  }
0xbe: {  	_ =	swait.ge [sflag:s4], $0x4000  }
0xbf: {  	[sflag:s4] =	ssyncset.done $0x0  }
0xc0: {  	[sflag:s4] =	ssyncadd.s32 $0xFFFFC000  }
0xc1: {  	_ =	swait.ge [sflag:s5], $0x4000  }
0xc2: {  	[sflag:s5] =	ssyncset.done $0x0  }
0xc3: {  	s13 =	rddreg [dreg:$0xa];
	[sflag:s5] =	ssyncadd.s32 $0xFFFFC000  }
0xc4: {  	[hbm4b:s13+s3] =	stream.linear.scatter [tilespmem:s26], [sflag:$0xD], $0x4000, $0x38;
	[tilespmem:$0x1D900] =	vst v63  }
0xc5: {  	_ =	swait.ge [sflag:s6], $0x4000  }
0xc6: {  	[sflag:s6] =	ssyncset.done $0x0  }
0xc7: {  	[sflag:s6] =	ssyncadd.s32 $0xFFFFC000  }
0xc8: {  	_ =	swait.ge [sflag:s7], $0x4000  }
0xc9: {  	[sflag:s7] =	ssyncset.done $0x0  }
0xca: {  	s11 =	rddreg [dreg:$0xb];
	[sflag:s7] =	ssyncadd.s32 $0xFFFFC000  }
0xcb: {  	[hbm4b:s11+s3] =	stream.linear.scatter [tilespmem:s29], [sflag:$0xE], $0x4000, $0x38;
	[tilespmem:$0x1D900] =	vst v63  }
0xcc: {  	_ =	swait.ge [sflag:s8], $0x4000  }
0xcd: {  	[sflag:s8] =	ssyncset.done $0x0  }
0xce: {  	[sflag:s8] =	ssyncadd.s32 $0xFFFFC000  }
0xcf: {  	_ =	swait.ge [sflag:s30], $0x4000  }
0xd0: {  	[sflag:s30] =	ssyncset.done $0x0  }
0xd1: {  	s12 =	rddreg [dreg:$0xc];
	[sflag:s30] =	ssyncadd.s32 $0xFFFFC000  }
0xd2: {  	[hbm4b:s12+s3] =	stream.linear.scatter [tilespmem:s17], [sflag:$0x8], $0x4000, $0x38;
	[tilespmem:$0x1D900] =	vst v63  }
0xd3: {  	_ =	swait.ge [sflag:s31], $0x4000  }
0xd4: {  	s9 =	sadd.s32 $0x1, s9;
	s13 =	rddreg [dreg:$0xd]  }
0xd5: {  	p0 =	sne.s32 s9, s13  }
.Ltmp1:
0xd6: {  	_ = 	snop;
	(pc) =	sbr.rel @p0 .LBB2_1-.Ltmp1, $3  }
0xd7: {  	_ =	sdelay $0x1  }
0xd8: {  	[sflag:s31] =	ssyncset.done $0x0  }
0xd9: {  	[sflag:s31] =	ssyncadd.s32 $0xFFFFC000  }
0xda: {  	_ =	sfence.sel $0x180000  }
0xdb: {  	[bflag:$0x0] =	sbarrier.arrive $0xFFFF  }
0xdc: {  	_ =	strace $0x90000047  }
0xdd: {  	s0 =	stileid.u32;
	[bflag:$0x2] =	sbarrier.arrive $0xFFFF  }
0xde: {  	p0 =	sne.s32 s0, $0x0;
	s0 =	rddreg [dreg:$0x3]  }
0xdf: {  	s0 =	sadd.s32 @!p0 $0x100000, s0  }
0xe0: {  	[sflag:s0] =	ssyncadd.tile.s32 @!p0 $0x1;
	_ =	shalt  }
.Lfunc_end2:
_tile_overlayer_lowered:
.L_overlay_start_2:
0xe1: {  	(tag) =	ssettag $0x2  }
0xe2: {  	s0 =	rddreg [dreg:$0x0];
	s2 =	stileid.u32  }
0xe3: {  	s1 =	rddreg [dreg:$0x1];
	p0 =	sne.s32 s2, $0x0  }
0xe4: {  	s3 =	rddreg [dreg:$0x2];
	[bflag:$0x3] =	sbarrier.arrive $0xFFFF;
	s2 =	simm.s32 @!p0 $0x1C0F  }
0xe5: {  	[timem:s3], [sflag:s2] =	dma.local @!p0 [hbm:s0], s1  }
0xe6: {  	s0 =	simm.s32 @!p0 $0xF  }
0xe7: {  	_ =	swait.ge @!p0 [sflag:s0], s1  }
0xe8: {  	s1 =	ssub.s32 @!p0 $0x0, s1;
	[sflag:s0] =	ssyncset.done @!p0 $0x0  }
0xe9: {  	[sflag:s0] =	ssyncadd.s32 @!p0 s1  }
0xea: {  	[bflag:$0x3] =	sbarrier.arrive $0xFFFF  }
0xeb: {  	_ =	shalt  }

</sc_bundles>
